<compile_context>
chip_gen: v7x
topology: tpu7x:2x2x1
jax: 0.10.2.dev20260603
libtpu: 0.0.44.dev20260713+nightly
codegen_flags: <defaults>
</compile_context>

<pallas_src>
import functools

import jax
import jax.numpy as jnp
from jax import lax
from jax.experimental import pallas as pl
from jax.experimental.pallas import tpu as pltpu
from jax.experimental.pallas import tpu_sc as plsc

N_CLASS_K = 26
CPAD = 32
LANES = 16
NC, NS = 2, 16
NW = NC * NS
ACC = CPAD * LANES
NQ = 4
NBUF = 4


def _tree_sum(vs):
    vs = list(vs)
    while len(vs) > 1:
        vs = [a + b for a, b in zip(vs[0::2], vs[1::2])]
    return vs[0]


TC_ROWS = 4096


def _sc_partials(x, label):
    n, d = x.shape
    rw = (n - TC_ROWS) // NW
    kc = d // LANES

    mesh = plsc.VectorSubcoreMesh(core_axis_name="c", subcore_axis_name="s")

    @functools.partial(
        pl.kernel,
        out_type=jax.ShapeDtypeStruct((NW * 3 * ACC,), jnp.float32),
        mesh=mesh,
        compiler_params=pltpu.CompilerParams(needs_layout_passes=False),
        scratch_types=[
            pltpu.VMEM((rw, d), jnp.float32),
            pltpu.VMEM((rw,), jnp.int32),
            pltpu.VMEM((ACC,), jnp.float32),
            pltpu.VMEM((ACC,), jnp.float32),
            pltpu.VMEM((ACC,), jnp.float32),
            pltpu.SemaphoreType.DMA,
            pltpu.SemaphoreType.DMA,
            pltpu.SemaphoreType.DMA,
            pltpu.SemaphoreType.DMA,
            pltpu.SemaphoreType.DMA,
        ],
    )
    def sc_k(x_hbm, lab_hbm, out_hbm, x_v, lab_v, sum_v, sq_v, cnt_v,
             sem0, sem1, sem2, sem3, lsem):
        wid = lax.axis_index("s") * NC + lax.axis_index("c")
        base = wid * rw
        qrows = rw // NQ
        gpq = qrows // LANES
        sems = (sem0, sem1, sem2, sem3)

        def chunk_copy(q):
            return pltpu.make_async_copy(
                x_hbm.at[pl.ds(base + q * qrows, qrows)],
                x_v.at[pl.ds(q * qrows, qrows)], sems[q])

        lcp = pltpu.make_async_copy(
            lab_hbm.at[pl.ds(base, rw)], lab_v, lsem)
        lcp.start()
        chunk_copy(0).start()
        chunk_copy(1).start()
        zero = jnp.zeros((LANES,), jnp.float32)
        for i in range(CPAD):
            sum_v[pl.ds(i * LANES, LANES)] = zero
            sq_v[pl.ds(i * LANES, LANES)] = zero
            cnt_v[pl.ds(i * LANES, LANES)] = zero
        lcp.wait()
        chunk_copy(0).wait()
        chunk_copy(2).start()
        lane_iota = lax.iota(jnp.int32, LANES)
        ones = jnp.ones((LANES,), jnp.float32)

        def group_body(g, carry):
            for q in range(1, NQ):
                @pl.when(g == q * gpq)
                def _(q=q):
                    chunk_copy(q).wait()
                    if q + 2 < NQ:
                        chunk_copy(q + 2).start()

            labs = lab_v[pl.ds(g * LANES, LANES)]
            results = []
            for j in range(LANES):
                r = g * LANES + j
                vs = [x_v[r, pl.ds(k * LANES, LANES)] for k in range(kc)]
                results.append((j, _tree_sum(vs),
                                _tree_sum([v * v for v in vs])))
            plsc.addupdate_scatter(cnt_v, [labs * LANES + lane_iota], ones)
            for j, acc, sq in results:
                idx = labs[j] * LANES + lane_iota
                plsc.addupdate_scatter(sum_v, [idx], acc)
                plsc.addupdate_scatter(sq_v, [idx], sq)
            return carry

        lax.fori_loop(0, rw // LANES, group_body, 0)
        obase = wid * 3 * ACC
        pltpu.sync_copy(sum_v, out_hbm.at[pl.ds(obase, ACC)])
        pltpu.sync_copy(sq_v, out_hbm.at[pl.ds(obase + ACC, ACC)])
        pltpu.sync_copy(cnt_v, out_hbm.at[pl.ds(obase + 2 * ACC, ACC)])

    return sc_k(x, label)


def _tc_loss(partials, x, lab2d):
    n, d = x.shape
    rows_per_stat = ACC // 128
    g_per_row = 128 // LANES
    prow = NW * 3 * ACC // 128

    def tc_body(p_ref, x_ref, l_ref, o_ref):
        xt = x_ref[...]
        lt = l_ref[...].reshape(1, TC_ROWS)
        cls = lax.broadcasted_iota(jnp.int32, (CPAD, TC_ROWS), 0)
        m = (lt == cls).astype(jnp.float32)
        s_tc = jnp.sum(jnp.dot(m, xt, preferred_element_type=jnp.float32),
                       axis=1).reshape(rows_per_stat, g_per_row)
        q_tc = jnp.sum(jnp.dot(m, xt * xt,
                               preferred_element_type=jnp.float32),
                       axis=1).reshape(rows_per_stat, g_per_row)
        c_tc = jnp.sum(m, axis=1).reshape(rows_per_stat, g_per_row)

        p = p_ref[...]
        s = jnp.sum(p.reshape(NW, 3 * rows_per_stat, 128), axis=0)
        j = lax.broadcasted_iota(jnp.int32, (128, g_per_row), 0)
        c = lax.broadcasted_iota(jnp.int32, (128, g_per_row), 1)
        sel = (j // LANES == c).astype(jnp.float32)
        st = jnp.dot(s, sel, preferred_element_type=jnp.float32)
        sum_x = st[0:4, :] + s_tc
        sum_sq = st[4:8, :] + q_tc
        cnt = (st[8:12, :] + c_tc) * d
        var = (sum_sq - sum_x * sum_x / cnt) / (cnt - 1.0)
        ca = lax.broadcasted_iota(jnp.int32, (rows_per_stat, g_per_row), 0)
        cb = lax.broadcasted_iota(jnp.int32, (rows_per_stat, g_per_row), 1)
        valid = (ca * g_per_row + cb) < N_CLASS_K
        loss = jnp.sum(jnp.where(valid, jnp.sqrt(var), 0.0), keepdims=True)
        o_ref[...] = loss

    out = pl.pallas_call(
        tc_body,
        grid=(1,),
        in_specs=[
            pl.BlockSpec((prow, 128), lambda i: (0, 0)),
            pl.BlockSpec((TC_ROWS, d), lambda i: ((n - TC_ROWS) // TC_ROWS, 0)),
            pl.BlockSpec((TC_ROWS // 128, 128),
                         lambda i: ((n - TC_ROWS) // 128 // (TC_ROWS // 128), 0)),
        ],
        out_specs=pl.BlockSpec((1, 1), lambda i: (0, 0)),
        out_shape=jax.ShapeDtypeStruct((1, 1), jnp.float32),
    )(partials.reshape(prow, 128), x, lab2d)
    return out[0, 0]


def kernel(x, label, n_class):
    del n_class
    lab32 = label.astype(jnp.int32)
    partials = _sc_partials(x, lab32)
    return _tc_loss(partials, x, lab32.reshape(x.shape[0] // 128, 128))

# --- scband reference (transcript-rebuilt; emitter-appended) ---
"""Pipeline reference for scband-cluster-loss-25701084299447 (READ-ONLY COPY).

The authoritative reference and input builder live on the scoring server;
editing this copy changes nothing except your own understanding.
"""

import jax, jax.numpy as jnp
import numpy as np

N = 16384
D = 128
N_CLASS = 26

def setup_inputs(seed: int = 0) -> dict:
    key = jax.random.key(seed)
    k1, k2 = jax.random.split(key)
    x = jax.random.normal(k1, (N, D), dtype=jnp.float32)
    label = jax.random.randint(k2, (N,), 0, N_CLASS, dtype=jnp.int64)
    return {"x": x, "label": label, "n_class": N_CLASS}

def reference(x, label, n_class):
    # Faithful translation of the torch loop: for each class i, gather rows
    # where label == i and accumulate the (unbiased, ddof=1) std of all
    # elements of that sub-tensor. Implemented with masked reductions so it
    # is shape-static (equivalent math to torch.std over x[label == i]).
    d = x.shape[1]

    def body(i, loss_all):
        m = (label == i).astype(x.dtype)  # [N]
        cnt = m.sum() * d  # number of scalar elements in xi
        s = (x * m[:, None]).sum()
        mean = s / cnt
        sq = (((x - mean) ** 2) * m[:, None]).sum()
        var = sq / (cnt - 1.0)  # unbiased, matching torch.std default
        return loss_all + jnp.sqrt(var)

    loss_all = jax.lax.fori_loop(0, n_class, body, jnp.float32(0.0))
    return loss_all

if __name__ == "__main__":
    import jax
    _d = setup_inputs()
    print(jax.jit(kernel)(*tuple(_d.values())))

</pallas_src>

<mosaic_0001>
#map = affine_map<(d0, d1) -> (0, 0)>
#map1 = affine_map<(d0, d1) -> (0)>
module attributes {stable_mosaic.version = 14 : i64} {
  func.func @sc_k(%arg0: i32, %arg1: i32, %arg2: memref<16384x128xf32, #tpu.memory_space<hbm>>, %arg3: memref<16384xi32, #tpu.memory_space<hbm>>, %arg4: memref<49152xf32, #tpu.memory_space<hbm>>, %arg5: memref<384x128xf32, #tpu.memory_space<vmem>>, %arg6: memref<384xi32, #tpu.memory_space<vmem>>, %arg7: memref<512xf32, #tpu.memory_space<vmem>>, %arg8: memref<512xf32, #tpu.memory_space<vmem>>, %arg9: memref<512xf32, #tpu.memory_space<vmem>>, %arg10: memref<!tpu.dma_semaphore, #tpu.memory_space<semaphore_mem>>, %arg11: memref<!tpu.dma_semaphore, #tpu.memory_space<semaphore_mem>>, %arg12: memref<!tpu.dma_semaphore, #tpu.memory_space<semaphore_mem>>, %arg13: memref<!tpu.dma_semaphore, #tpu.memory_space<semaphore_mem>>, %arg14: memref<!tpu.dma_semaphore, #tpu.memory_space<semaphore_mem>>) attributes {dimension_semantics = [#tpu.dimension_semantics<core_parallel>, #tpu.dimension_semantics<subcore_parallel>], iteration_bounds = array<i64: 2, 16>, scalar_prefetch = 0 : i64, scratch_operands = 10 : i64, tpu.core_type = #tpu.core_type<sc_vector_subcore>, window_params = [{transform_indices = #map}, {transform_indices = #map1}, {transform_indices = #map1}]} {
    %mul3A = arith.constant 2 : i32
    %mul3A_0 = arith.muli %arg1, %mul3A : i32
    %add3A = arith.addi %mul3A_0, %arg0 : i32
    %mul3A_1 = arith.constant 384 : i32
    %mul3A_2 = arith.muli %add3A, %mul3A_1 : i32
    %dma_start3A = tpu.memref_slice %arg3[%mul3A_2] : memref<16384xi32, #tpu.memory_space<hbm>> -> memref<384xi32, #tpu.memory_space<hbm>>
    %dma_start3A_3 = tpu.memref_slice %arg3[%mul3A_2] : memref<16384xi32, #tpu.memory_space<hbm>> -> memref<384xi32, #tpu.memory_space<hbm>>
    tpu.enqueue_dma source(%dma_start3A_3 : memref<384xi32, #tpu.memory_space<hbm>>) target(%arg6 : memref<384xi32, #tpu.memory_space<vmem>>) target_semaphore(%arg14 : memref<!tpu.dma_semaphore, #tpu.memory_space<semaphore_mem>>)
    %add3A_4 = arith.constant 0 : i32
    %add3A_5 = arith.addi %mul3A_2, %add3A_4 : i32
    %dma_start3A_6 = arith.constant 0 : i32
    %dma_start3A_7 = arith.constant 0 : i32
    %dma_start3A_8 = tpu.memref_slice %arg5[%dma_start3A_6, %dma_start3A_7] : memref<384x128xf32, #tpu.memory_space<vmem>> -> memref<96x128xf32, #tpu.memory_space<vmem>>
    %dma_start3A_9 = arith.constant 0 : i32
    %dma_start3A_10 = tpu.memref_slice %arg2[%add3A_5, %dma_start3A_9] : memref<16384x128xf32, #tpu.memory_space<hbm>> -> memref<96x128xf32, #tpu.memory_space<hbm>>
    %dma_start3A_11 = arith.constant 0 : i32
    %dma_start3A_12 = arith.constant 0 : i32
    %dma_start3A_13 = tpu.memref_slice %arg5[%dma_start3A_11, %dma_start3A_12] : memref<384x128xf32, #tpu.memory_space<vmem>> -> memref<96x128xf32, #tpu.memory_space<vmem>>
    %dma_start3A_14 = arith.constant 0 : i32
    %dma_start3A_15 = tpu.memref_slice %arg2[%add3A_5, %dma_start3A_14] : memref<16384x128xf32, #tpu.memory_space<hbm>> -> memref<96x128xf32, #tpu.memory_space<hbm>>
    tpu.enqueue_dma source(%dma_start3A_15 : memref<96x128xf32, #tpu.memory_space<hbm>>) target(%dma_start3A_13 : memref<96x128xf32, #tpu.memory_space<vmem>>) target_semaphore(%arg10 : memref<!tpu.dma_semaphore, #tpu.memory_space<semaphore_mem>>)
    %add3A_16 = arith.constant 96 : i32
    %add3A_17 = arith.addi %mul3A_2, %add3A_16 : i32
    %dma_start3A_18 = arith.constant 96 : i32
    %dma_start3A_19 = arith.constant 0 : i32
    %dma_start3A_20 = tpu.memref_slice %arg5[%dma_start3A_18, %dma_start3A_19] : memref<384x128xf32, #tpu.memory_space<vmem>> -> memref<96x128xf32, #tpu.memory_space<vmem>>
    %dma_start3A_21 = arith.constant 0 : i32
    %dma_start3A_22 = tpu.memref_slice %arg2[%add3A_17, %dma_start3A_21] : memref<16384x128xf32, #tpu.memory_space<hbm>> -> memref<96x128xf32, #tpu.memory_space<hbm>>
    %dma_start3A_23 = arith.constant 96 : i32
    %dma_start3A_24 = arith.constant 0 : i32
    %dma_start3A_25 = tpu.memref_slice %arg5[%dma_start3A_23, %dma_start3A_24] : memref<384x128xf32, #tpu.memory_space<vmem>> -> memref<96x128xf32, #tpu.memory_space<vmem>>
    %dma_start3A_26 = arith.constant 0 : i32
    %dma_start3A_27 = tpu.memref_slice %arg2[%add3A_17, %dma_start3A_26] : memref<16384x128xf32, #tpu.memory_space<hbm>> -> memref<96x128xf32, #tpu.memory_space<hbm>>
    tpu.enqueue_dma source(%dma_start3A_27 : memref<96x128xf32, #tpu.memory_space<hbm>>) target(%dma_start3A_25 : memref<96x128xf32, #tpu.memory_space<vmem>>) target_semaphore(%arg11 : memref<!tpu.dma_semaphore, #tpu.memory_space<semaphore_mem>>)
    %broadcast_in_dim3A = arith.constant 0.000000e+00 : f32
    %broadcast_in_dim3A_28 = vector.broadcast %broadcast_in_dim3A : f32 to vector<16xf32>
    %swap3A = arith.constant 0 : index
    %swap3A_29 = tpu.vector_load %arg7[%swap3A] {strides = array<i32>} : memref<512xf32, #tpu.memory_space<vmem>>, vector<16xf32>,
    tpu.vector_store %arg7[%swap3A], %broadcast_in_dim3A_28 {strides = array<i32>} : memref<512xf32, #tpu.memory_space<vmem>>, vector<16xf32>,
    %swap3A_30 = arith.constant 0 : index
    %swap3A_31 = tpu.vector_load %arg8[%swap3A_30] {strides = array<i32>} : memref<512xf32, #tpu.memory_space<vmem>>, vector<16xf32>,
    tpu.vector_store %arg8[%swap3A_30], %broadcast_in_dim3A_28 {strides = array<i32>} : memref<512xf32, #tpu.memory_space<vmem>>, vector<16xf32>,
    %swap3A_32 = arith.constant 0 : index
    %swap3A_33 = tpu.vector_load %arg9[%swap3A_32] {strides = array<i32>} : memref<512xf32, #tpu.memory_space<vmem>>, vector<16xf32>,
    tpu.vector_store %arg9[%swap3A_32], %broadcast_in_dim3A_28 {strides = array<i32>} : memref<512xf32, #tpu.memory_space<vmem>>, vector<16xf32>,
    %swap3A_34 = arith.constant 16 : index
    %swap3A_35 = tpu.vector_load %arg7[%swap3A_34] {strides = array<i32>} : memref<512xf32, #tpu.memory_space<vmem>>, vector<16xf32>,
    tpu.vector_store %arg7[%swap3A_34], %broadcast_in_dim3A_28 {strides = array<i32>} : memref<512xf32, #tpu.memory_space<vmem>>, vector<16xf32>,
    %swap3A_36 = arith.constant 16 : index
    %swap3A_37 = tpu.vector_load %arg8[%swap3A_36] {strides = array<i32>} : memref<512xf32, #tpu.memory_space<vmem>>, vector<16xf32>,
    tpu.vector_store %arg8[%swap3A_36], %broadcast_in_dim3A_28 {strides = array<i32>} : memref<512xf32, #tpu.memory_space<vmem>>, vector<16xf32>,
    %swap3A_38 = arith.constant 16 : index
    %swap3A_39 = tpu.vector_load %arg9[%swap3A_38] {strides = array<i32>} : memref<512xf32, #tpu.memory_space<vmem>>, vector<16xf32>,
    tpu.vector_store %arg9[%swap3A_38], %broadcast_in_dim3A_28 {strides = array<i32>} : memref<512xf32, #tpu.memory_space<vmem>>, vector<16xf32>,
    %swap3A_40 = arith.constant 32 : index
    %swap3A_41 = tpu.vector_load %arg7[%swap3A_40] {strides = array<i32>} : memref<512xf32, #tpu.memory_space<vmem>>, vector<16xf32>,
    tpu.vector_store %arg7[%swap3A_40], %broadcast_in_dim3A_28 {strides = array<i32>} : memref<512xf32, #tpu.memory_space<vmem>>, vector<16xf32>,
    %swap3A_42 = arith.constant 32 : index
    %swap3A_43 = tpu.vector_load %arg8[%swap3A_42] {strides = array<i32>} : memref<512xf32, #tpu.memory_space<vmem>>, vector<16xf32>,
    tpu.vector_store %arg8[%swap3A_42], %broadcast_in_dim3A_28 {strides = array<i32>} : memref<512xf32, #tpu.memory_space<vmem>>, vector<16xf32>,
    %swap3A_44 = arith.constant 32 : index
    %swap3A_45 = tpu.vector_load %arg9[%swap3A_44] {strides = array<i32>} : memref<512xf32, #tpu.memory_space<vmem>>, vector<16xf32>,
    tpu.vector_store %arg9[%swap3A_44], %broadcast_in_dim3A_28 {strides = array<i32>} : memref<512xf32, #tpu.memory_space<vmem>>, vector<16xf32>,
    %swap3A_46 = arith.constant 48 : index
    %swap3A_47 = tpu.vector_load %arg7[%swap3A_46] {strides = array<i32>} : memref<512xf32, #tpu.memory_space<vmem>>, vector<16xf32>,
    tpu.vector_store %arg7[%swap3A_46], %broadcast_in_dim3A_28 {strides = array<i32>} : memref<512xf32, #tpu.memory_space<vmem>>, vector<16xf32>,
    %swap3A_48 = arith.constant 48 : index
    %swap3A_49 = tpu.vector_load %arg8[%swap3A_48] {strides = array<i32>} : memref<512xf32, #tpu.memory_space<vmem>>, vector<16xf32>,
    tpu.vector_store %arg8[%swap3A_48], %broadcast_in_dim3A_28 {strides = array<i32>} : memref<512xf32, #tpu.memory_space<vmem>>, vector<16xf32>,
    %swap3A_50 = arith.constant 48 : index
    %swap3A_51 = tpu.vector_load %arg9[%swap3A_50] {strides = array<i32>} : memref<512xf32, #tpu.memory_space<vmem>>, vector<16xf32>,
    tpu.vector_store %arg9[%swap3A_50], %broadcast_in_dim3A_28 {strides = array<i32>} : memref<512xf32, #tpu.memory_space<vmem>>, vector<16xf32>,
    %swap3A_52 = arith.constant 64 : index
    %swap3A_53 = tpu.vector_load %arg7[%swap3A_52] {strides = array<i32>} : memref<512xf32, #tpu.memory_space<vmem>>, vector<16xf32>,
    tpu.vector_store %arg7[%swap3A_52], %broadcast_in_dim3A_28 {strides = array<i32>} : memref<512xf32, #tpu.memory_space<vmem>>, vector<16xf32>,
    %swap3A_54 = arith.constant 64 : index
    %swap3A_55 = tpu.vector_load %arg8[%swap3A_54] {strides = array<i32>} : memref<512xf32, #tpu.memory_space<vmem>>, vector<16xf32>,
    tpu.vector_store %arg8[%swap3A_54], %broadcast_in_dim3A_28 {strides = array<i32>} : memref<512xf32, #tpu.memory_space<vmem>>, vector<16xf32>,
    %swap3A_56 = arith.constant 64 : index
    %swap3A_57 = tpu.vector_load %arg9[%swap3A_56] {strides = array<i32>} : memref<512xf32, #tpu.memory_space<vmem>>, vector<16xf32>,
    tpu.vector_store %arg9[%swap3A_56], %broadcast_in_dim3A_28 {strides = array<i32>} : memref<512xf32, #tpu.memory_space<vmem>>, vector<16xf32>,
    %swap3A_58 = arith.constant 80 : index
    %swap3A_59 = tpu.vector_load %arg7[%swap3A_58] {strides = array<i32>} : memref<512xf32, #tpu.memory_space<vmem>>, vector<16xf32>,
    tpu.vector_store %arg7[%swap3A_58], %broadcast_in_dim3A_28 {strides = array<i32>} : memref<512xf32, #tpu.memory_space<vmem>>, vector<16xf32>,
    %swap3A_60 = arith.constant 80 : index
    %swap3A_61 = tpu.vector_load %arg8[%swap3A_60] {strides = array<i32>} : memref<512xf32, #tpu.memory_space<vmem>>, vector<16xf32>,
    tpu.vector_store %arg8[%swap3A_60], %broadcast_in_dim3A_28 {strides = array<i32>} : memref<512xf32, #tpu.memory_space<vmem>>, vector<16xf32>,
    %swap3A_62 = arith.constant 80 : index
    %swap3A_63 = tpu.vector_load %arg9[%swap3A_62] {strides = array<i32>} : memref<512xf32, #tpu.memory_space<vmem>>, vector<16xf32>,
    tpu.vector_store %arg9[%swap3A_62], %broadcast_in_dim3A_28 {strides = array<i32>} : memref<512xf32, #tpu.memory_space<vmem>>, vector<16xf32>,
    %swap3A_64 = arith.constant 96 : index
    %swap3A_65 = tpu.vector_load %arg7[%swap3A_64] {strides = array<i32>} : memref<512xf32, #tpu.memory_space<vmem>>, vector<16xf32>,
    tpu.vector_store %arg7[%swap3A_64], %broadcast_in_dim3A_28 {strides = array<i32>} : memref<512xf32, #tpu.memory_space<vmem>>, vector<16xf32>,
    %swap3A_66 = arith.constant 96 : index
    %swap3A_67 = tpu.vector_load %arg8[%swap3A_66] {strides = array<i32>} : memref<512xf32, #tpu.memory_space<vmem>>, vector<16xf32>,
    tpu.vector_store %arg8[%swap3A_66], %broadcast_in_dim3A_28 {strides = array<i32>} : memref<512xf32, #tpu.memory_space<vmem>>, vector<16xf32>,
    %swap3A_68 = arith.constant 96 : index
    %swap3A_69 = tpu.vector_load %arg9[%swap3A_68] {strides = array<i32>} : memref<512xf32, #tpu.memory_space<vmem>>, vector<16xf32>,
    tpu.vector_store %arg9[%swap3A_68], %broadcast_in_dim3A_28 {strides = array<i32>} : memref<512xf32, #tpu.memory_space<vmem>>, vector<16xf32>,
    %swap3A_70 = arith.constant 112 : index
    %swap3A_71 = tpu.vector_load %arg7[%swap3A_70] {strides = array<i32>} : memref<512xf32, #tpu.memory_space<vmem>>, vector<16xf32>,
    tpu.vector_store %arg7[%swap3A_70], %broadcast_in_dim3A_28 {strides = array<i32>} : memref<512xf32, #tpu.memory_space<vmem>>, vector<16xf32>,
    %swap3A_72 = arith.constant 112 : index
    %swap3A_73 = tpu.vector_load %arg8[%swap3A_72] {strides = array<i32>} : memref<512xf32, #tpu.memory_space<vmem>>, vector<16xf32>,
    tpu.vector_store %arg8[%swap3A_72], %broadcast_in_dim3A_28 {strides = array<i32>} : memref<512xf32, #tpu.memory_space<vmem>>, vector<16xf32>,
    %swap3A_74 = arith.constant 112 : index
    %swap3A_75 = tpu.vector_load %arg9[%swap3A_74] {strides = array<i32>} : memref<512xf32, #tpu.memory_space<vmem>>, vector<16xf32>,
    tpu.vector_store %arg9[%swap3A_74], %broadcast_in_dim3A_28 {strides = array<i32>} : memref<512xf32, #tpu.memory_space<vmem>>, vector<16xf32>,
    %swap3A_76 = arith.constant 128 : index
    %swap3A_77 = tpu.vector_load %arg7[%swap3A_76] {strides = array<i32>} : memref<512xf32, #tpu.memory_space<vmem>>, vector<16xf32>,
    tpu.vector_store %arg7[%swap3A_76], %broadcast_in_dim3A_28 {strides = array<i32>} : memref<512xf32, #tpu.memory_space<vmem>>, vector<16xf32>,
    %swap3A_78 = arith.constant 128 : index
    %swap3A_79 = tpu.vector_load %arg8[%swap3A_78] {strides = array<i32>} : memref<512xf32, #tpu.memory_space<vmem>>, vector<16xf32>,
    tpu.vector_store %arg8[%swap3A_78], %broadcast_in_dim3A_28 {strides = array<i32>} : memref<512xf32, #tpu.memory_space<vmem>>, vector<16xf32>,
    %swap3A_80 = arith.constant 128 : index
    %swap3A_81 = tpu.vector_load %arg9[%swap3A_80] {strides = array<i32>} : memref<512xf32, #tpu.memory_space<vmem>>, vector<16xf32>,
    tpu.vector_store %arg9[%swap3A_80], %broadcast_in_dim3A_28 {strides = array<i32>} : memref<512xf32, #tpu.memory_space<vmem>>, vector<16xf32>,
    %swap3A_82 = arith.constant 144 : index
    %swap3A_83 = tpu.vector_load %arg7[%swap3A_82] {strides = array<i32>} : memref<512xf32, #tpu.memory_space<vmem>>, vector<16xf32>,
    tpu.vector_store %arg7[%swap3A_82], %broadcast_in_dim3A_28 {strides = array<i32>} : memref<512xf32, #tpu.memory_space<vmem>>, vector<16xf32>,
    %swap3A_84 = arith.constant 144 : index
    %swap3A_85 = tpu.vector_load %arg8[%swap3A_84] {strides = array<i32>} : memref<512xf32, #tpu.memory_space<vmem>>, vector<16xf32>,
    tpu.vector_store %arg8[%swap3A_84], %broadcast_in_dim3A_28 {strides = array<i32>} : memref<512xf32, #tpu.memory_space<vmem>>, vector<16xf32>,
    %swap3A_86 = arith.constant 144 : index
    %swap3A_87 = tpu.vector_load %arg9[%swap3A_86] {strides = array<i32>} : memref<512xf32, #tpu.memory_space<vmem>>, vector<16xf32>,
    tpu.vector_store %arg9[%swap3A_86], %broadcast_in_dim3A_28 {strides = array<i32>} : memref<512xf32, #tpu.memory_space<vmem>>, vector<16xf32>,
    %swap3A_88 = arith.constant 160 : index
    %swap3A_89 = tpu.vector_load %arg7[%swap3A_88] {strides = array<i32>} : memref<512xf32, #tpu.memory_space<vmem>>, vector<16xf32>,
    tpu.vector_store %arg7[%swap3A_88], %broadcast_in_dim3A_28 {strides = array<i32>} : memref<512xf32, #tpu.memory_space<vmem>>, vector<16xf32>,
    %swap3A_90 = arith.constant 160 : index
    %swap3A_91 = tpu.vector_load %arg8[%swap3A_90] {strides = array<i32>} : memref<512xf32, #tpu.memory_space<vmem>>, vector<16xf32>,
    tpu.vector_store %arg8[%swap3A_90], %broadcast_in_dim3A_28 {strides = array<i32>} : memref<512xf32, #tpu.memory_space<vmem>>, vector<16xf32>,
    %swap3A_92 = arith.constant 160 : index
    %swap3A_93 = tpu.vector_load %arg9[%swap3A_92] {strides = array<i32>} : memref<512xf32, #tpu.memory_space<vmem>>, vector<16xf32>,
    tpu.vector_store %arg9[%swap3A_92], %broadcast_in_dim3A_28 {strides = array<i32>} : memref<512xf32, #tpu.memory_space<vmem>>, vector<16xf32>,
    %swap3A_94 = arith.constant 176 : index
    %swap3A_95 = tpu.vector_load %arg7[%swap3A_94] {strides = array<i32>} : memref<512xf32, #tpu.memory_space<vmem>>, vector<16xf32>,
    tpu.vector_store %arg7[%swap3A_94], %broadcast_in_dim3A_28 {strides = array<i32>} : memref<512xf32, #tpu.memory_space<vmem>>, vector<16xf32>,
    %swap3A_96 = arith.constant 176 : index
    %swap3A_97 = tpu.vector_load %arg8[%swap3A_96] {strides = array<i32>} : memref<512xf32, #tpu.memory_space<vmem>>, vector<16xf32>,
    tpu.vector_store %arg8[%swap3A_96], %broadcast_in_dim3A_28 {strides = array<i32>} : memref<512xf32, #tpu.memory_space<vmem>>, vector<16xf32>,
    %swap3A_98 = arith.constant 176 : index
    %swap3A_99 = tpu.vector_load %arg9[%swap3A_98] {strides = array<i32>} : memref<512xf32, #tpu.memory_space<vmem>>, vector<16xf32>,
    tpu.vector_store %arg9[%swap3A_98], %broadcast_in_dim3A_28 {strides = array<i32>} : memref<512xf32, #tpu.memory_space<vmem>>, vector<16xf32>,
    %swap3A_100 = arith.constant 192 : index
    %swap3A_101 = tpu.vector_load %arg7[%swap3A_100] {strides = array<i32>} : memref<512xf32, #tpu.memory_space<vmem>>, vector<16xf32>,
    tpu.vector_store %arg7[%swap3A_100], %broadcast_in_dim3A_28 {strides = array<i32>} : memref<512xf32, #tpu.memory_space<vmem>>, vector<16xf32>,
    %swap3A_102 = arith.constant 192 : index
    %swap3A_103 = tpu.vector_load %arg8[%swap3A_102] {strides = array<i32>} : memref<512xf32, #tpu.memory_space<vmem>>, vector<16xf32>,
    tpu.vector_store %arg8[%swap3A_102], %broadcast_in_dim3A_28 {strides = array<i32>} : memref<512xf32, #tpu.memory_space<vmem>>, vector<16xf32>,
    %swap3A_104 = arith.constant 192 : index
    %swap3A_105 = tpu.vector_load %arg9[%swap3A_104] {strides = array<i32>} : memref<512xf32, #tpu.memory_space<vmem>>, vector<16xf32>,
    tpu.vector_store %arg9[%swap3A_104], %broadcast_in_dim3A_28 {strides = array<i32>} : memref<512xf32, #tpu.memory_space<vmem>>, vector<16xf32>,
    %swap3A_106 = arith.constant 208 : index
    %swap3A_107 = tpu.vector_load %arg7[%swap3A_106] {strides = array<i32>} : memref<512xf32, #tpu.memory_space<vmem>>, vector<16xf32>,
    tpu.vector_store %arg7[%swap3A_106], %broadcast_in_dim3A_28 {strides = array<i32>} : memref<512xf32, #tpu.memory_space<vmem>>, vector<16xf32>,
    %swap3A_108 = arith.constant 208 : index
    %swap3A_109 = tpu.vector_load %arg8[%swap3A_108] {strides = array<i32>} : memref<512xf32, #tpu.memory_space<vmem>>, vector<16xf32>,
    tpu.vector_store %arg8[%swap3A_108], %broadcast_in_dim3A_28 {strides = array<i32>} : memref<512xf32, #tpu.memory_space<vmem>>, vector<16xf32>,
    %swap3A_110 = arith.constant 208 : index
    %swap3A_111 = tpu.vector_load %arg9[%swap3A_110] {strides = array<i32>} : memref<512xf32, #tpu.memory_space<vmem>>, vector<16xf32>,
    tpu.vector_store %arg9[%swap3A_110], %broadcast_in_dim3A_28 {strides = array<i32>} : memref<512xf32, #tpu.memory_space<vmem>>, vector<16xf32>,
    %swap3A_112 = arith.constant 224 : index
    %swap3A_113 = tpu.vector_load %arg7[%swap3A_112] {strides = array<i32>} : memref<512xf32, #tpu.memory_space<vmem>>, vector<16xf32>,
    tpu.vector_store %arg7[%swap3A_112], %broadcast_in_dim3A_28 {strides = array<i32>} : memref<512xf32, #tpu.memory_space<vmem>>, vector<16xf32>,
    %swap3A_114 = arith.constant 224 : index
    %swap3A_115 = tpu.vector_load %arg8[%swap3A_114] {strides = array<i32>} : memref<512xf32, #tpu.memory_space<vmem>>, vector<16xf32>,
    tpu.vector_store %arg8[%swap3A_114], %broadcast_in_dim3A_28 {strides = array<i32>} : memref<512xf32, #tpu.memory_space<vmem>>, vector<16xf32>,
    %swap3A_116 = arith.constant 224 : index
    %swap3A_117 = tpu.vector_load %arg9[%swap3A_116] {strides = array<i32>} : memref<512xf32, #tpu.memory_space<vmem>>, vector<16xf32>,
    tpu.vector_store %arg9[%swap3A_116], %broadcast_in_dim3A_28 {strides = array<i32>} : memref<512xf32, #tpu.memory_space<vmem>>, vector<16xf32>,
    %swap3A_118 = arith.constant 240 : index
    %swap3A_119 = tpu.vector_load %arg7[%swap3A_118] {strides = array<i32>} : memref<512xf32, #tpu.memory_space<vmem>>, vector<16xf32>,
    tpu.vector_store %arg7[%swap3A_118], %broadcast_in_dim3A_28 {strides = array<i32>} : memref<512xf32, #tpu.memory_space<vmem>>, vector<16xf32>,
    %swap3A_120 = arith.constant 240 : index
    %swap3A_121 = tpu.vector_load %arg8[%swap3A_120] {strides = array<i32>} : memref<512xf32, #tpu.memory_space<vmem>>, vector<16xf32>,
    tpu.vector_store %arg8[%swap3A_120], %broadcast_in_dim3A_28 {strides = array<i32>} : memref<512xf32, #tpu.memory_space<vmem>>, vector<16xf32>,
    %swap3A_122 = arith.constant 240 : index
    %swap3A_123 = tpu.vector_load %arg9[%swap3A_122] {strides = array<i32>} : memref<512xf32, #tpu.memory_space<vmem>>, vector<16xf32>,
    tpu.vector_store %arg9[%swap3A_122], %broadcast_in_dim3A_28 {strides = array<i32>} : memref<512xf32, #tpu.memory_space<vmem>>, vector<16xf32>,
    %swap3A_124 = arith.constant 256 : index
    %swap3A_125 = tpu.vector_load %arg7[%swap3A_124] {strides = array<i32>} : memref<512xf32, #tpu.memory_space<vmem>>, vector<16xf32>,
    tpu.vector_store %arg7[%swap3A_124], %broadcast_in_dim3A_28 {strides = array<i32>} : memref<512xf32, #tpu.memory_space<vmem>>, vector<16xf32>,
    %swap3A_126 = arith.constant 256 : index
    %swap3A_127 = tpu.vector_load %arg8[%swap3A_126] {strides = array<i32>} : memref<512xf32, #tpu.memory_space<vmem>>, vector<16xf32>,
    tpu.vector_store %arg8[%swap3A_126], %broadcast_in_dim3A_28 {strides = array<i32>} : memref<512xf32, #tpu.memory_space<vmem>>, vector<16xf32>,
    %swap3A_128 = arith.constant 256 : index
    %swap3A_129 = tpu.vector_load %arg9[%swap3A_128] {strides = array<i32>} : memref<512xf32, #tpu.memory_space<vmem>>, vector<16xf32>,
    tpu.vector_store %arg9[%swap3A_128], %broadcast_in_dim3A_28 {strides = array<i32>} : memref<512xf32, #tpu.memory_space<vmem>>, vector<16xf32>,
    %swap3A_130 = arith.constant 272 : index
    %swap3A_131 = tpu.vector_load %arg7[%swap3A_130] {strides = array<i32>} : memref<512xf32, #tpu.memory_space<vmem>>, vector<16xf32>,
    tpu.vector_store %arg7[%swap3A_130], %broadcast_in_dim3A_28 {strides = array<i32>} : memref<512xf32, #tpu.memory_space<vmem>>, vector<16xf32>,
    %swap3A_132 = arith.constant 272 : index
    %swap3A_133 = tpu.vector_load %arg8[%swap3A_132] {strides = array<i32>} : memref<512xf32, #tpu.memory_space<vmem>>, vector<16xf32>,
    tpu.vector_store %arg8[%swap3A_132], %broadcast_in_dim3A_28 {strides = array<i32>} : memref<512xf32, #tpu.memory_space<vmem>>, vector<16xf32>,
    %swap3A_134 = arith.constant 272 : index
    %swap3A_135 = tpu.vector_load %arg9[%swap3A_134] {strides = array<i32>} : memref<512xf32, #tpu.memory_space<vmem>>, vector<16xf32>,
    tpu.vector_store %arg9[%swap3A_134], %broadcast_in_dim3A_28 {strides = array<i32>} : memref<512xf32, #tpu.memory_space<vmem>>, vector<16xf32>,
    %swap3A_136 = arith.constant 288 : index
    %swap3A_137 = tpu.vector_load %arg7[%swap3A_136] {strides = array<i32>} : memref<512xf32, #tpu.memory_space<vmem>>, vector<16xf32>,
    tpu.vector_store %arg7[%swap3A_136], %broadcast_in_dim3A_28 {strides = array<i32>} : memref<512xf32, #tpu.memory_space<vmem>>, vector<16xf32>,
    %swap3A_138 = arith.constant 288 : index
    %swap3A_139 = tpu.vector_load %arg8[%swap3A_138] {strides = array<i32>} : memref<512xf32, #tpu.memory_space<vmem>>, vector<16xf32>,
    tpu.vector_store %arg8[%swap3A_138], %broadcast_in_dim3A_28 {strides = array<i32>} : memref<512xf32, #tpu.memory_space<vmem>>, vector<16xf32>,
    %swap3A_140 = arith.constant 288 : index
    %swap3A_141 = tpu.vector_load %arg9[%swap3A_140] {strides = array<i32>} : memref<512xf32, #tpu.memory_space<vmem>>, vector<16xf32>,
    tpu.vector_store %arg9[%swap3A_140], %broadcast_in_dim3A_28 {strides = array<i32>} : memref<512xf32, #tpu.memory_space<vmem>>, vector<16xf32>,
    %swap3A_142 = arith.constant 304 : index
    %swap3A_143 = tpu.vector_load %arg7[%swap3A_142] {strides = array<i32>} : memref<512xf32, #tpu.memory_space<vmem>>, vector<16xf32>,
    tpu.vector_store %arg7[%swap3A_142], %broadcast_in_dim3A_28 {strides = array<i32>} : memref<512xf32, #tpu.memory_space<vmem>>, vector<16xf32>,
    %swap3A_144 = arith.constant 304 : index
    %swap3A_145 = tpu.vector_load %arg8[%swap3A_144] {strides = array<i32>} : memref<512xf32, #tpu.memory_space<vmem>>, vector<16xf32>,
    tpu.vector_store %arg8[%swap3A_144], %broadcast_in_dim3A_28 {strides = array<i32>} : memref<512xf32, #tpu.memory_space<vmem>>, vector<16xf32>,
    %swap3A_146 = arith.constant 304 : index
    %swap3A_147 = tpu.vector_load %arg9[%swap3A_146] {strides = array<i32>} : memref<512xf32, #tpu.memory_space<vmem>>, vector<16xf32>,
    tpu.vector_store %arg9[%swap3A_146], %broadcast_in_dim3A_28 {strides = array<i32>} : memref<512xf32, #tpu.memory_space<vmem>>, vector<16xf32>,
    %swap3A_148 = arith.constant 320 : index
    %swap3A_149 = tpu.vector_load %arg7[%swap3A_148] {strides = array<i32>} : memref<512xf32, #tpu.memory_space<vmem>>, vector<16xf32>,
    tpu.vector_store %arg7[%swap3A_148], %broadcast_in_dim3A_28 {strides = array<i32>} : memref<512xf32, #tpu.memory_space<vmem>>, vector<16xf32>,
    %swap3A_150 = arith.constant 320 : index
    %swap3A_151 = tpu.vector_load %arg8[%swap3A_150] {strides = array<i32>} : memref<512xf32, #tpu.memory_space<vmem>>, vector<16xf32>,
    tpu.vector_store %arg8[%swap3A_150], %broadcast_in_dim3A_28 {strides = array<i32>} : memref<512xf32, #tpu.memory_space<vmem>>, vector<16xf32>,
    %swap3A_152 = arith.constant 320 : index
    %swap3A_153 = tpu.vector_load %arg9[%swap3A_152] {strides = array<i32>} : memref<512xf32, #tpu.memory_space<vmem>>, vector<16xf32>,
    tpu.vector_store %arg9[%swap3A_152], %broadcast_in_dim3A_28 {strides = array<i32>} : memref<512xf32, #tpu.memory_space<vmem>>, vector<16xf32>,
    %swap3A_154 = arith.constant 336 : index
    %swap3A_155 = tpu.vector_load %arg7[%swap3A_154] {strides = array<i32>} : memref<512xf32, #tpu.memory_space<vmem>>, vector<16xf32>,
    tpu.vector_store %arg7[%swap3A_154], %broadcast_in_dim3A_28 {strides = array<i32>} : memref<512xf32, #tpu.memory_space<vmem>>, vector<16xf32>,
    %swap3A_156 = arith.constant 336 : index
    %swap3A_157 = tpu.vector_load %arg8[%swap3A_156] {strides = array<i32>} : memref<512xf32, #tpu.memory_space<vmem>>, vector<16xf32>,
    tpu.vector_store %arg8[%swap3A_156], %broadcast_in_dim3A_28 {strides = array<i32>} : memref<512xf32, #tpu.memory_space<vmem>>, vector<16xf32>,
    %swap3A_158 = arith.constant 336 : index
    %swap3A_159 = tpu.vector_load %arg9[%swap3A_158] {strides = array<i32>} : memref<512xf32, #tpu.memory_space<vmem>>, vector<16xf32>,
    tpu.vector_store %arg9[%swap3A_158], %broadcast_in_dim3A_28 {strides = array<i32>} : memref<512xf32, #tpu.memory_space<vmem>>, vector<16xf32>,
    %swap3A_160 = arith.constant 352 : index
    %swap3A_161 = tpu.vector_load %arg7[%swap3A_160] {strides = array<i32>} : memref<512xf32, #tpu.memory_space<vmem>>, vector<16xf32>,
    tpu.vector_store %arg7[%swap3A_160], %broadcast_in_dim3A_28 {strides = array<i32>} : memref<512xf32, #tpu.memory_space<vmem>>, vector<16xf32>,
    %swap3A_162 = arith.constant 352 : index
    %swap3A_163 = tpu.vector_load %arg8[%swap3A_162] {strides = array<i32>} : memref<512xf32, #tpu.memory_space<vmem>>, vector<16xf32>,
    tpu.vector_store %arg8[%swap3A_162], %broadcast_in_dim3A_28 {strides = array<i32>} : memref<512xf32, #tpu.memory_space<vmem>>, vector<16xf32>,
    %swap3A_164 = arith.constant 352 : index
    %swap3A_165 = tpu.vector_load %arg9[%swap3A_164] {strides = array<i32>} : memref<512xf32, #tpu.memory_space<vmem>>, vector<16xf32>,
    tpu.vector_store %arg9[%swap3A_164], %broadcast_in_dim3A_28 {strides = array<i32>} : memref<512xf32, #tpu.memory_space<vmem>>, vector<16xf32>,
    %swap3A_166 = arith.constant 368 : index
    %swap3A_167 = tpu.vector_load %arg7[%swap3A_166] {strides = array<i32>} : memref<512xf32, #tpu.memory_space<vmem>>, vector<16xf32>,
    tpu.vector_store %arg7[%swap3A_166], %broadcast_in_dim3A_28 {strides = array<i32>} : memref<512xf32, #tpu.memory_space<vmem>>, vector<16xf32>,
    %swap3A_168 = arith.constant 368 : index
    %swap3A_169 = tpu.vector_load %arg8[%swap3A_168] {strides = array<i32>} : memref<512xf32, #tpu.memory_space<vmem>>, vector<16xf32>,
    tpu.vector_store %arg8[%swap3A_168], %broadcast_in_dim3A_28 {strides = array<i32>} : memref<512xf32, #tpu.memory_space<vmem>>, vector<16xf32>,
    %swap3A_170 = arith.constant 368 : index
    %swap3A_171 = tpu.vector_load %arg9[%swap3A_170] {strides = array<i32>} : memref<512xf32, #tpu.memory_space<vmem>>, vector<16xf32>,
    tpu.vector_store %arg9[%swap3A_170], %broadcast_in_dim3A_28 {strides = array<i32>} : memref<512xf32, #tpu.memory_space<vmem>>, vector<16xf32>,
    %swap3A_172 = arith.constant 384 : index
    %swap3A_173 = tpu.vector_load %arg7[%swap3A_172] {strides = array<i32>} : memref<512xf32, #tpu.memory_space<vmem>>, vector<16xf32>,
    tpu.vector_store %arg7[%swap3A_172], %broadcast_in_dim3A_28 {strides = array<i32>} : memref<512xf32, #tpu.memory_space<vmem>>, vector<16xf32>,
    %swap3A_174 = arith.constant 384 : index
    %swap3A_175 = tpu.vector_load %arg8[%swap3A_174] {strides = array<i32>} : memref<512xf32, #tpu.memory_space<vmem>>, vector<16xf32>,
    tpu.vector_store %arg8[%swap3A_174], %broadcast_in_dim3A_28 {strides = array<i32>} : memref<512xf32, #tpu.memory_space<vmem>>, vector<16xf32>,
    %swap3A_176 = arith.constant 384 : index
    %swap3A_177 = tpu.vector_load %arg9[%swap3A_176] {strides = array<i32>} : memref<512xf32, #tpu.memory_space<vmem>>, vector<16xf32>,
    tpu.vector_store %arg9[%swap3A_176], %broadcast_in_dim3A_28 {strides = array<i32>} : memref<512xf32, #tpu.memory_space<vmem>>, vector<16xf32>,
    %swap3A_178 = arith.constant 400 : index
    %swap3A_179 = tpu.vector_load %arg7[%swap3A_178] {strides = array<i32>} : memref<512xf32, #tpu.memory_space<vmem>>, vector<16xf32>,
    tpu.vector_store %arg7[%swap3A_178], %broadcast_in_dim3A_28 {strides = array<i32>} : memref<512xf32, #tpu.memory_space<vmem>>, vector<16xf32>,
    %swap3A_180 = arith.constant 400 : index
    %swap3A_181 = tpu.vector_load %arg8[%swap3A_180] {strides = array<i32>} : memref<512xf32, #tpu.memory_space<vmem>>, vector<16xf32>,
    tpu.vector_store %arg8[%swap3A_180], %broadcast_in_dim3A_28 {strides = array<i32>} : memref<512xf32, #tpu.memory_space<vmem>>, vector<16xf32>,
    %swap3A_182 = arith.constant 400 : index
    %swap3A_183 = tpu.vector_load %arg9[%swap3A_182] {strides = array<i32>} : memref<512xf32, #tpu.memory_space<vmem>>, vector<16xf32>,
    tpu.vector_store %arg9[%swap3A_182], %broadcast_in_dim3A_28 {strides = array<i32>} : memref<512xf32, #tpu.memory_space<vmem>>, vector<16xf32>,
    %swap3A_184 = arith.constant 416 : index
    %swap3A_185 = tpu.vector_load %arg7[%swap3A_184] {strides = array<i32>} : memref<512xf32, #tpu.memory_space<vmem>>, vector<16xf32>,
    tpu.vector_store %arg7[%swap3A_184], %broadcast_in_dim3A_28 {strides = array<i32>} : memref<512xf32, #tpu.memory_space<vmem>>, vector<16xf32>,
    %swap3A_186 = arith.constant 416 : index
    %swap3A_187 = tpu.vector_load %arg8[%swap3A_186] {strides = array<i32>} : memref<512xf32, #tpu.memory_space<vmem>>, vector<16xf32>,
    tpu.vector_store %arg8[%swap3A_186], %broadcast_in_dim3A_28 {strides = array<i32>} : memref<512xf32, #tpu.memory_space<vmem>>, vector<16xf32>,
    %swap3A_188 = arith.constant 416 : index
    %swap3A_189 = tpu.vector_load %arg9[%swap3A_188] {strides = array<i32>} : memref<512xf32, #tpu.memory_space<vmem>>, vector<16xf32>,
    tpu.vector_store %arg9[%swap3A_188], %broadcast_in_dim3A_28 {strides = array<i32>} : memref<512xf32, #tpu.memory_space<vmem>>, vector<16xf32>,
    %swap3A_190 = arith.constant 432 : index
    %swap3A_191 = tpu.vector_load %arg7[%swap3A_190] {strides = array<i32>} : memref<512xf32, #tpu.memory_space<vmem>>, vector<16xf32>,
    tpu.vector_store %arg7[%swap3A_190], %broadcast_in_dim3A_28 {strides = array<i32>} : memref<512xf32, #tpu.memory_space<vmem>>, vector<16xf32>,
    %swap3A_192 = arith.constant 432 : index
    %swap3A_193 = tpu.vector_load %arg8[%swap3A_192] {strides = array<i32>} : memref<512xf32, #tpu.memory_space<vmem>>, vector<16xf32>,
    tpu.vector_store %arg8[%swap3A_192], %broadcast_in_dim3A_28 {strides = array<i32>} : memref<512xf32, #tpu.memory_space<vmem>>, vector<16xf32>,
    %swap3A_194 = arith.constant 432 : index
    %swap3A_195 = tpu.vector_load %arg9[%swap3A_194] {strides = array<i32>} : memref<512xf32, #tpu.memory_space<vmem>>, vector<16xf32>,
    tpu.vector_store %arg9[%swap3A_194], %broadcast_in_dim3A_28 {strides = array<i32>} : memref<512xf32, #tpu.memory_space<vmem>>, vector<16xf32>,
    %swap3A_196 = arith.constant 448 : index
    %swap3A_197 = tpu.vector_load %arg7[%swap3A_196] {strides = array<i32>} : memref<512xf32, #tpu.memory_space<vmem>>, vector<16xf32>,
    tpu.vector_store %arg7[%swap3A_196], %broadcast_in_dim3A_28 {strides = array<i32>} : memref<512xf32, #tpu.memory_space<vmem>>, vector<16xf32>,
    %swap3A_198 = arith.constant 448 : index
    %swap3A_199 = tpu.vector_load %arg8[%swap3A_198] {strides = array<i32>} : memref<512xf32, #tpu.memory_space<vmem>>, vector<16xf32>,
    tpu.vector_store %arg8[%swap3A_198], %broadcast_in_dim3A_28 {strides = array<i32>} : memref<512xf32, #tpu.memory_space<vmem>>, vector<16xf32>,
    %swap3A_200 = arith.constant 448 : index
    %swap3A_201 = tpu.vector_load %arg9[%swap3A_200] {strides = array<i32>} : memref<512xf32, #tpu.memory_space<vmem>>, vector<16xf32>,
    tpu.vector_store %arg9[%swap3A_200], %broadcast_in_dim3A_28 {strides = array<i32>} : memref<512xf32, #tpu.memory_space<vmem>>, vector<16xf32>,
    %swap3A_202 = arith.constant 464 : index
    %swap3A_203 = tpu.vector_load %arg7[%swap3A_202] {strides = array<i32>} : memref<512xf32, #tpu.memory_space<vmem>>, vector<16xf32>,
    tpu.vector_store %arg7[%swap3A_202], %broadcast_in_dim3A_28 {strides = array<i32>} : memref<512xf32, #tpu.memory_space<vmem>>, vector<16xf32>,
    %swap3A_204 = arith.constant 464 : index
    %swap3A_205 = tpu.vector_load %arg8[%swap3A_204] {strides = array<i32>} : memref<512xf32, #tpu.memory_space<vmem>>, vector<16xf32>,
    tpu.vector_store %arg8[%swap3A_204], %broadcast_in_dim3A_28 {strides = array<i32>} : memref<512xf32, #tpu.memory_space<vmem>>, vector<16xf32>,
    %swap3A_206 = arith.constant 464 : index
    %swap3A_207 = tpu.vector_load %arg9[%swap3A_206] {strides = array<i32>} : memref<512xf32, #tpu.memory_space<vmem>>, vector<16xf32>,
    tpu.vector_store %arg9[%swap3A_206], %broadcast_in_dim3A_28 {strides = array<i32>} : memref<512xf32, #tpu.memory_space<vmem>>, vector<16xf32>,
    %swap3A_208 = arith.constant 480 : index
    %swap3A_209 = tpu.vector_load %arg7[%swap3A_208] {strides = array<i32>} : memref<512xf32, #tpu.memory_space<vmem>>, vector<16xf32>,
    tpu.vector_store %arg7[%swap3A_208], %broadcast_in_dim3A_28 {strides = array<i32>} : memref<512xf32, #tpu.memory_space<vmem>>, vector<16xf32>,
    %swap3A_210 = arith.constant 480 : index
    %swap3A_211 = tpu.vector_load %arg8[%swap3A_210] {strides = array<i32>} : memref<512xf32, #tpu.memory_space<vmem>>, vector<16xf32>,
    tpu.vector_store %arg8[%swap3A_210], %broadcast_in_dim3A_28 {strides = array<i32>} : memref<512xf32, #tpu.memory_space<vmem>>, vector<16xf32>,
    %swap3A_212 = arith.constant 480 : index
    %swap3A_213 = tpu.vector_load %arg9[%swap3A_212] {strides = array<i32>} : memref<512xf32, #tpu.memory_space<vmem>>, vector<16xf32>,
    tpu.vector_store %arg9[%swap3A_212], %broadcast_in_dim3A_28 {strides = array<i32>} : memref<512xf32, #tpu.memory_space<vmem>>, vector<16xf32>,
    %swap3A_214 = arith.constant 496 : index
    %swap3A_215 = tpu.vector_load %arg7[%swap3A_214] {strides = array<i32>} : memref<512xf32, #tpu.memory_space<vmem>>, vector<16xf32>,
    tpu.vector_store %arg7[%swap3A_214], %broadcast_in_dim3A_28 {strides = array<i32>} : memref<512xf32, #tpu.memory_space<vmem>>, vector<16xf32>,
    %swap3A_216 = arith.constant 496 : index
    %swap3A_217 = tpu.vector_load %arg8[%swap3A_216] {strides = array<i32>} : memref<512xf32, #tpu.memory_space<vmem>>, vector<16xf32>,
    tpu.vector_store %arg8[%swap3A_216], %broadcast_in_dim3A_28 {strides = array<i32>} : memref<512xf32, #tpu.memory_space<vmem>>, vector<16xf32>,
    %swap3A_218 = arith.constant 496 : index
    %swap3A_219 = tpu.vector_load %arg9[%swap3A_218] {strides = array<i32>} : memref<512xf32, #tpu.memory_space<vmem>>, vector<16xf32>,
    tpu.vector_store %arg9[%swap3A_218], %broadcast_in_dim3A_28 {strides = array<i32>} : memref<512xf32, #tpu.memory_space<vmem>>, vector<16xf32>,
    %dma_wait3A = tpu.memref_slice %arg3[%mul3A_2] : memref<16384xi32, #tpu.memory_space<hbm>> -> memref<384xi32, #tpu.memory_space<hbm>>
    %dma_wait3A_220 = tpu.memref_slice %arg3[%mul3A_2] : memref<16384xi32, #tpu.memory_space<hbm>> -> memref<384xi32, #tpu.memory_space<hbm>>
    tpu.wait_dma2 semaphore(%arg14 : memref<!tpu.dma_semaphore, #tpu.memory_space<semaphore_mem>>) src(%dma_wait3A_220 : memref<384xi32, #tpu.memory_space<hbm>>) dst(%arg6 : memref<384xi32, #tpu.memory_space<vmem>>)
    %add3A_221 = arith.constant 0 : i32
    %add3A_222 = arith.addi %mul3A_2, %add3A_221 : i32
    %dma_wait3A_223 = arith.constant 0 : i32
    %dma_wait3A_224 = arith.constant 0 : i32
    %dma_wait3A_225 = tpu.memref_slice %arg5[%dma_wait3A_223, %dma_wait3A_224] : memref<384x128xf32, #tpu.memory_space<vmem>> -> memref<96x128xf32, #tpu.memory_space<vmem>>
    %dma_wait3A_226 = arith.constant 0 : i32
    %dma_wait3A_227 = tpu.memref_slice %arg2[%add3A_222, %dma_wait3A_226] : memref<16384x128xf32, #tpu.memory_space<hbm>> -> memref<96x128xf32, #tpu.memory_space<hbm>>
    %dma_wait3A_228 = arith.constant 0 : i32
    %dma_wait3A_229 = arith.constant 0 : i32
    %dma_wait3A_230 = tpu.memref_slice %arg5[%dma_wait3A_228, %dma_wait3A_229] : memref<384x128xf32, #tpu.memory_space<vmem>> -> memref<96x128xf32, #tpu.memory_space<vmem>>
    %dma_wait3A_231 = arith.constant 0 : i32
    %dma_wait3A_232 = tpu.memref_slice %arg2[%add3A_222, %dma_wait3A_231] : memref<16384x128xf32, #tpu.memory_space<hbm>> -> memref<96x128xf32, #tpu.memory_space<hbm>>
    tpu.wait_dma2 semaphore(%arg10 : memref<!tpu.dma_semaphore, #tpu.memory_space<semaphore_mem>>) src(%dma_wait3A_232 : memref<96x128xf32, #tpu.memory_space<hbm>>) dst(%dma_wait3A_230 : memref<96x128xf32, #tpu.memory_space<vmem>>)
    %add3A_233 = arith.constant 192 : i32
    %add3A_234 = arith.addi %mul3A_2, %add3A_233 : i32
    %dma_start3A_235 = arith.constant 192 : i32
    %dma_start3A_236 = arith.constant 0 : i32
    %dma_start3A_237 = tpu.memref_slice %arg5[%dma_start3A_235, %dma_start3A_236] : memref<384x128xf32, #tpu.memory_space<vmem>> -> memref<96x128xf32, #tpu.memory_space<vmem>>
    %dma_start3A_238 = arith.constant 0 : i32
    %dma_start3A_239 = tpu.memref_slice %arg2[%add3A_234, %dma_start3A_238] : memref<16384x128xf32, #tpu.memory_space<hbm>> -> memref<96x128xf32, #tpu.memory_space<hbm>>
    %dma_start3A_240 = arith.constant 192 : i32
    %dma_start3A_241 = arith.constant 0 : i32
    %dma_start3A_242 = tpu.memref_slice %arg5[%dma_start3A_240, %dma_start3A_241] : memref<384x128xf32, #tpu.memory_space<vmem>> -> memref<96x128xf32, #tpu.memory_space<vmem>>
    %dma_start3A_243 = arith.constant 0 : i32
    %dma_start3A_244 = tpu.memref_slice %arg2[%add3A_234, %dma_start3A_243] : memref<16384x128xf32, #tpu.memory_space<hbm>> -> memref<96x128xf32, #tpu.memory_space<hbm>>
    tpu.enqueue_dma source(%dma_start3A_244 : memref<96x128xf32, #tpu.memory_space<hbm>>) target(%dma_start3A_242 : memref<96x128xf32, #tpu.memory_space<vmem>>) target_semaphore(%arg12 : memref<!tpu.dma_semaphore, #tpu.memory_space<semaphore_mem>>)
    %iota3A = tpu.iota {dimensions = array<i32: 0>} : vector<16xi32>
    %broadcast_in_dim3A_245 = arith.constant 1.000000e+00 : f32
    %broadcast_in_dim3A_246 = vector.broadcast %broadcast_in_dim3A_245 : f32 to vector<16xf32>
    %scan3A = arith.constant 0 : i32
    %scan3A_247 = arith.constant 0 : i32
    %scan3A_248 = arith.constant 24 : i32
    %scan3A_249 = arith.addi %scan3A_247, %scan3A_248 : i32
    %scan3A_250 = arith.constant 1 : i32
    scf.for %scan3A_260 = %scan3A_247 to %scan3A_249 step %scan3A_250  : i32 {
      %eq3A = arith.constant 6 : i32
      %eq3A_261 = arith.cmpi eq, %scan3A_260, %eq3A : i32
      %convert_element_type3A = arith.extui %eq3A_261 : i1 to i32
      %cond3A = arith.constant 0 : i32
      %cond3A_262 = arith.cmpi ne, %convert_element_type3A, %cond3A : i32
      scf.if %cond3A_262 {
        %add3A_1174 = arith.constant 96 : i32
        %add3A_1175 = arith.addi %mul3A_2, %add3A_1174 : i32
        %dma_wait3A_1176 = arith.constant 96 : i32
        %dma_wait3A_1177 = arith.constant 0 : i32
        %dma_wait3A_1178 = tpu.memref_slice %arg5[%dma_wait3A_1176, %dma_wait3A_1177] : memref<384x128xf32, #tpu.memory_space<vmem>> -> memref<96x128xf32, #tpu.memory_space<vmem>>
        %dma_wait3A_1179 = arith.constant 0 : i32
        %dma_wait3A_1180 = tpu.memref_slice %arg2[%add3A_1175, %dma_wait3A_1179] : memref<16384x128xf32, #tpu.memory_space<hbm>> -> memref<96x128xf32, #tpu.memory_space<hbm>>
        %dma_wait3A_1181 = arith.constant 96 : i32
        %dma_wait3A_1182 = arith.constant 0 : i32
        %dma_wait3A_1183 = tpu.memref_slice %arg5[%dma_wait3A_1181, %dma_wait3A_1182] : memref<384x128xf32, #tpu.memory_space<vmem>> -> memref<96x128xf32, #tpu.memory_space<vmem>>
        %dma_wait3A_1184 = arith.constant 0 : i32
        %dma_wait3A_1185 = tpu.memref_slice %arg2[%add3A_1175, %dma_wait3A_1184] : memref<16384x128xf32, #tpu.memory_space<hbm>> -> memref<96x128xf32, #tpu.memory_space<hbm>>
        tpu.wait_dma2 semaphore(%arg11 : memref<!tpu.dma_semaphore, #tpu.memory_space<semaphore_mem>>) src(%dma_wait3A_1185 : memref<96x128xf32, #tpu.memory_space<hbm>>) dst(%dma_wait3A_1183 : memref<96x128xf32, #tpu.memory_space<vmem>>)
        %add3A_1186 = arith.constant 288 : i32
        %add3A_1187 = arith.addi %mul3A_2, %add3A_1186 : i32
        %dma_start3A_1188 = arith.constant 288 : i32
        %dma_start3A_1189 = arith.constant 0 : i32
        %dma_start3A_1190 = tpu.memref_slice %arg5[%dma_start3A_1188, %dma_start3A_1189] : memref<384x128xf32, #tpu.memory_space<vmem>> -> memref<96x128xf32, #tpu.memory_space<vmem>>
        %dma_start3A_1191 = arith.constant 0 : i32
        %dma_start3A_1192 = tpu.memref_slice %arg2[%add3A_1187, %dma_start3A_1191] : memref<16384x128xf32, #tpu.memory_space<hbm>> -> memref<96x128xf32, #tpu.memory_space<hbm>>
        %dma_start3A_1193 = arith.constant 288 : i32
        %dma_start3A_1194 = arith.constant 0 : i32
        %dma_start3A_1195 = tpu.memref_slice %arg5[%dma_start3A_1193, %dma_start3A_1194] : memref<384x128xf32, #tpu.memory_space<vmem>> -> memref<96x128xf32, #tpu.memory_space<vmem>>
        %dma_start3A_1196 = arith.constant 0 : i32
        %dma_start3A_1197 = tpu.memref_slice %arg2[%add3A_1187, %dma_start3A_1196] : memref<16384x128xf32, #tpu.memory_space<hbm>> -> memref<96x128xf32, #tpu.memory_space<hbm>>
        tpu.enqueue_dma source(%dma_start3A_1197 : memref<96x128xf32, #tpu.memory_space<hbm>>) target(%dma_start3A_1195 : memref<96x128xf32, #tpu.memory_space<vmem>>) target_semaphore(%arg13 : memref<!tpu.dma_semaphore, #tpu.memory_space<semaphore_mem>>)
      } else {
      }
      %eq3A_263 = arith.constant 12 : i32
      %eq3A_264 = arith.cmpi eq, %scan3A_260, %eq3A_263 : i32
      %convert_element_type3A_265 = arith.extui %eq3A_264 : i1 to i32
      %cond3A_266 = arith.constant 0 : i32
      %cond3A_267 = arith.cmpi ne, %convert_element_type3A_265, %cond3A_266 : i32
      scf.if %cond3A_267 {
        %add3A_1174 = arith.constant 192 : i32
        %add3A_1175 = arith.addi %mul3A_2, %add3A_1174 : i32
        %dma_wait3A_1176 = arith.constant 192 : i32
        %dma_wait3A_1177 = arith.constant 0 : i32
        %dma_wait3A_1178 = tpu.memref_slice %arg5[%dma_wait3A_1176, %dma_wait3A_1177] : memref<384x128xf32, #tpu.memory_space<vmem>> -> memref<96x128xf32, #tpu.memory_space<vmem>>
        %dma_wait3A_1179 = arith.constant 0 : i32
        %dma_wait3A_1180 = tpu.memref_slice %arg2[%add3A_1175, %dma_wait3A_1179] : memref<16384x128xf32, #tpu.memory_space<hbm>> -> memref<96x128xf32, #tpu.memory_space<hbm>>
        %dma_wait3A_1181 = arith.constant 192 : i32
        %dma_wait3A_1182 = arith.constant 0 : i32
        %dma_wait3A_1183 = tpu.memref_slice %arg5[%dma_wait3A_1181, %dma_wait3A_1182] : memref<384x128xf32, #tpu.memory_space<vmem>> -> memref<96x128xf32, #tpu.memory_space<vmem>>
        %dma_wait3A_1184 = arith.constant 0 : i32
        %dma_wait3A_1185 = tpu.memref_slice %arg2[%add3A_1175, %dma_wait3A_1184] : memref<16384x128xf32, #tpu.memory_space<hbm>> -> memref<96x128xf32, #tpu.memory_space<hbm>>
        tpu.wait_dma2 semaphore(%arg12 : memref<!tpu.dma_semaphore, #tpu.memory_space<semaphore_mem>>) src(%dma_wait3A_1185 : memref<96x128xf32, #tpu.memory_space<hbm>>) dst(%dma_wait3A_1183 : memref<96x128xf32, #tpu.memory_space<vmem>>)
      } else {
      }
      %eq3A_268 = arith.constant 18 : i32
      %eq3A_269 = arith.cmpi eq, %scan3A_260, %eq3A_268 : i32
      %convert_element_type3A_270 = arith.extui %eq3A_269 : i1 to i32
      %cond3A_271 = arith.constant 0 : i32
      %cond3A_272 = arith.cmpi ne, %convert_element_type3A_270, %cond3A_271 : i32
      scf.if %cond3A_272 {
        %add3A_1174 = arith.constant 288 : i32
        %add3A_1175 = arith.addi %mul3A_2, %add3A_1174 : i32
        %dma_wait3A_1176 = arith.constant 288 : i32
        %dma_wait3A_1177 = arith.constant 0 : i32
        %dma_wait3A_1178 = tpu.memref_slice %arg5[%dma_wait3A_1176, %dma_wait3A_1177] : memref<384x128xf32, #tpu.memory_space<vmem>> -> memref<96x128xf32, #tpu.memory_space<vmem>>
        %dma_wait3A_1179 = arith.constant 0 : i32
        %dma_wait3A_1180 = tpu.memref_slice %arg2[%add3A_1175, %dma_wait3A_1179] : memref<16384x128xf32, #tpu.memory_space<hbm>> -> memref<96x128xf32, #tpu.memory_space<hbm>>
        %dma_wait3A_1181 = arith.constant 288 : i32
        %dma_wait3A_1182 = arith.constant 0 : i32
        %dma_wait3A_1183 = tpu.memref_slice %arg5[%dma_wait3A_1181, %dma_wait3A_1182] : memref<384x128xf32, #tpu.memory_space<vmem>> -> memref<96x128xf32, #tpu.memory_space<vmem>>
        %dma_wait3A_1184 = arith.constant 0 : i32
        %dma_wait3A_1185 = tpu.memref_slice %arg2[%add3A_1175, %dma_wait3A_1184] : memref<16384x128xf32, #tpu.memory_space<hbm>> -> memref<96x128xf32, #tpu.memory_space<hbm>>
        tpu.wait_dma2 semaphore(%arg13 : memref<!tpu.dma_semaphore, #tpu.memory_space<semaphore_mem>>) src(%dma_wait3A_1185 : memref<96x128xf32, #tpu.memory_space<hbm>>) dst(%dma_wait3A_1183 : memref<96x128xf32, #tpu.memory_space<vmem>>)
      } else {
      }
      %mul3A_273 = arith.constant 16 : i32
      %mul3A_274 = arith.muli %scan3A_260, %mul3A_273 : i32
      %get3A = arith.index_cast %mul3A_274 : i32 to index
      %get3A_275 = tpu.vector_load %arg6[%get3A] {strides = array<i32>} : memref<384xi32, #tpu.memory_space<vmem>>, vector<16xi32>,
      %mul3A_276 = arith.constant 16 : i32
      %mul3A_277 = arith.muli %scan3A_260, %mul3A_276 : i32
      %add3A_278 = arith.constant 0 : i32
      %add3A_279 = arith.addi %mul3A_277, %add3A_278 : i32
      %get3A_280 = arith.index_cast %add3A_279 : i32 to index
      %get3A_281 = arith.constant 0 : index
      %get3A_282 = tpu.vector_load %arg5[%get3A_280, %get3A_281] {strides = array<i32>} : memref<384x128xf32, #tpu.memory_space<vmem>>, vector<16xf32>,
      %get3A_283 = arith.index_cast %add3A_279 : i32 to index
      %get3A_284 = arith.constant 16 : index
      %get3A_285 = tpu.vector_load %arg5[%get3A_283, %get3A_284] {strides = array<i32>} : memref<384x128xf32, #tpu.memory_space<vmem>>, vector<16xf32>,
      %get3A_286 = arith.index_cast %add3A_279 : i32 to index
      %get3A_287 = arith.constant 32 : index
      %get3A_288 = tpu.vector_load %arg5[%get3A_286, %get3A_287] {strides = array<i32>} : memref<384x128xf32, #tpu.memory_space<vmem>>, vector<16xf32>,
      %get3A_289 = arith.index_cast %add3A_279 : i32 to index
      %get3A_290 = arith.constant 48 : index
      %get3A_291 = tpu.vector_load %arg5[%get3A_289, %get3A_290] {strides = array<i32>} : memref<384x128xf32, #tpu.memory_space<vmem>>, vector<16xf32>,
      %get3A_292 = arith.index_cast %add3A_279 : i32 to index
      %get3A_293 = arith.constant 64 : index
      %get3A_294 = tpu.vector_load %arg5[%get3A_292, %get3A_293] {strides = array<i32>} : memref<384x128xf32, #tpu.memory_space<vmem>>, vector<16xf32>,
      %get3A_295 = arith.index_cast %add3A_279 : i32 to index
      %get3A_296 = arith.constant 80 : index
      %get3A_297 = tpu.vector_load %arg5[%get3A_295, %get3A_296] {strides = array<i32>} : memref<384x128xf32, #tpu.memory_space<vmem>>, vector<16xf32>,
      %get3A_298 = arith.index_cast %add3A_279 : i32 to index
      %get3A_299 = arith.constant 96 : index
      %get3A_300 = tpu.vector_load %arg5[%get3A_298, %get3A_299] {strides = array<i32>} : memref<384x128xf32, #tpu.memory_space<vmem>>, vector<16xf32>,
      %get3A_301 = arith.index_cast %add3A_279 : i32 to index
      %get3A_302 = arith.constant 112 : index
      %get3A_303 = tpu.vector_load %arg5[%get3A_301, %get3A_302] {strides = array<i32>} : memref<384x128xf32, #tpu.memory_space<vmem>>, vector<16xf32>,
      %add3A_304 = arith.addf %get3A_282, %get3A_285 : vector<16xf32>
      %add3A_305 = arith.addf %get3A_288, %get3A_291 : vector<16xf32>
      %add3A_306 = arith.addf %get3A_294, %get3A_297 : vector<16xf32>
      %add3A_307 = arith.addf %get3A_300, %get3A_303 : vector<16xf32>
      %add3A_308 = arith.addf %add3A_304, %add3A_305 : vector<16xf32>
      %add3A_309 = arith.addf %add3A_306, %add3A_307 : vector<16xf32>
      %add3A_310 = arith.addf %add3A_308, %add3A_309 : vector<16xf32>
      %mul3A_311 = arith.mulf %get3A_282, %get3A_282 : vector<16xf32>
      %mul3A_312 = arith.mulf %get3A_285, %get3A_285 : vector<16xf32>
      %mul3A_313 = arith.mulf %get3A_288, %get3A_288 : vector<16xf32>
      %mul3A_314 = arith.mulf %get3A_291, %get3A_291 : vector<16xf32>
      %mul3A_315 = arith.mulf %get3A_294, %get3A_294 : vector<16xf32>
      %mul3A_316 = arith.mulf %get3A_297, %get3A_297 : vector<16xf32>
      %mul3A_317 = arith.mulf %get3A_300, %get3A_300 : vector<16xf32>
      %mul3A_318 = arith.mulf %get3A_303, %get3A_303 : vector<16xf32>
      %add3A_319 = arith.addf %mul3A_311, %mul3A_312 : vector<16xf32>
      %add3A_320 = arith.addf %mul3A_313, %mul3A_314 : vector<16xf32>
      %add3A_321 = arith.addf %mul3A_315, %mul3A_316 : vector<16xf32>
      %add3A_322 = arith.addf %mul3A_317, %mul3A_318 : vector<16xf32>
      %add3A_323 = arith.addf %add3A_319, %add3A_320 : vector<16xf32>
      %add3A_324 = arith.addf %add3A_321, %add3A_322 : vector<16xf32>
      %add3A_325 = arith.addf %add3A_323, %add3A_324 : vector<16xf32>
      %mul3A_326 = arith.constant 16 : i32
      %mul3A_327 = arith.muli %scan3A_260, %mul3A_326 : i32
      %add3A_328 = arith.constant 1 : i32
      %add3A_329 = arith.addi %mul3A_327, %add3A_328 : i32
      %get3A_330 = arith.index_cast %add3A_329 : i32 to index
      %get3A_331 = arith.constant 0 : index
      %get3A_332 = tpu.vector_load %arg5[%get3A_330, %get3A_331] {strides = array<i32>} : memref<384x128xf32, #tpu.memory_space<vmem>>, vector<16xf32>,
      %get3A_333 = arith.index_cast %add3A_329 : i32 to index
      %get3A_334 = arith.constant 16 : index
      %get3A_335 = tpu.vector_load %arg5[%get3A_333, %get3A_334] {strides = array<i32>} : memref<384x128xf32, #tpu.memory_space<vmem>>, vector<16xf32>,
      %get3A_336 = arith.index_cast %add3A_329 : i32 to index
      %get3A_337 = arith.constant 32 : index
      %get3A_338 = tpu.vector_load %arg5[%get3A_336, %get3A_337] {strides = array<i32>} : memref<384x128xf32, #tpu.memory_space<vmem>>, vector<16xf32>,
      %get3A_339 = arith.index_cast %add3A_329 : i32 to index
      %get3A_340 = arith.constant 48 : index
      %get3A_341 = tpu.vector_load %arg5[%get3A_339, %get3A_340] {strides = array<i32>} : memref<384x128xf32, #tpu.memory_space<vmem>>, vector<16xf32>,
      %get3A_342 = arith.index_cast %add3A_329 : i32 to index
      %get3A_343 = arith.constant 64 : index
      %get3A_344 = tpu.vector_load %arg5[%get3A_342, %get3A_343] {strides = array<i32>} : memref<384x128xf32, #tpu.memory_space<vmem>>, vector<16xf32>,
      %get3A_345 = arith.index_cast %add3A_329 : i32 to index
      %get3A_346 = arith.constant 80 : index
      %get3A_347 = tpu.vector_load %arg5[%get3A_345, %get3A_346] {strides = array<i32>} : memref<384x128xf32, #tpu.memory_space<vmem>>, vector<16xf32>,
      %get3A_348 = arith.index_cast %add3A_329 : i32 to index
      %get3A_349 = arith.constant 96 : index
      %get3A_350 = tpu.vector_load %arg5[%get3A_348, %get3A_349] {strides = array<i32>} : memref<384x128xf32, #tpu.memory_space<vmem>>, vector<16xf32>,
      %get3A_351 = arith.index_cast %add3A_329 : i32 to index
      %get3A_352 = arith.constant 112 : index
      %get3A_353 = tpu.vector_load %arg5[%get3A_351, %get3A_352] {strides = array<i32>} : memref<384x128xf32, #tpu.memory_space<vmem>>, vector<16xf32>,
      %add3A_354 = arith.addf %get3A_332, %get3A_335 : vector<16xf32>
      %add3A_355 = arith.addf %get3A_338, %get3A_341 : vector<16xf32>
      %add3A_356 = arith.addf %get3A_344, %get3A_347 : vector<16xf32>
      %add3A_357 = arith.addf %get3A_350, %get3A_353 : vector<16xf32>
      %add3A_358 = arith.addf %add3A_354, %add3A_355 : vector<16xf32>
      %add3A_359 = arith.addf %add3A_356, %add3A_357 : vector<16xf32>
      %add3A_360 = arith.addf %add3A_358, %add3A_359 : vector<16xf32>
      %mul3A_361 = arith.mulf %get3A_332, %get3A_332 : vector<16xf32>
      %mul3A_362 = arith.mulf %get3A_335, %get3A_335 : vector<16xf32>
      %mul3A_363 = arith.mulf %get3A_338, %get3A_338 : vector<16xf32>
      %mul3A_364 = arith.mulf %get3A_341, %get3A_341 : vector<16xf32>
      %mul3A_365 = arith.mulf %get3A_344, %get3A_344 : vector<16xf32>
      %mul3A_366 = arith.mulf %get3A_347, %get3A_347 : vector<16xf32>
      %mul3A_367 = arith.mulf %get3A_350, %get3A_350 : vector<16xf32>
      %mul3A_368 = arith.mulf %get3A_353, %get3A_353 : vector<16xf32>
      %add3A_369 = arith.addf %mul3A_361, %mul3A_362 : vector<16xf32>
      %add3A_370 = arith.addf %mul3A_363, %mul3A_364 : vector<16xf32>
      %add3A_371 = arith.addf %mul3A_365, %mul3A_366 : vector<16xf32>
      %add3A_372 = arith.addf %mul3A_367, %mul3A_368 : vector<16xf32>
      %add3A_373 = arith.addf %add3A_369, %add3A_370 : vector<16xf32>
      %add3A_374 = arith.addf %add3A_371, %add3A_372 : vector<16xf32>
      %add3A_375 = arith.addf %add3A_373, %add3A_374 : vector<16xf32>
      %mul3A_376 = arith.constant 16 : i32
      %mul3A_377 = arith.muli %scan3A_260, %mul3A_376 : i32
      %add3A_378 = arith.constant 2 : i32
      %add3A_379 = arith.addi %mul3A_377, %add3A_378 : i32
      %get3A_380 = arith.index_cast %add3A_379 : i32 to index
      %get3A_381 = arith.constant 0 : index
      %get3A_382 = tpu.vector_load %arg5[%get3A_380, %get3A_381] {strides = array<i32>} : memref<384x128xf32, #tpu.memory_space<vmem>>, vector<16xf32>,
      %get3A_383 = arith.index_cast %add3A_379 : i32 to index
      %get3A_384 = arith.constant 16 : index
      %get3A_385 = tpu.vector_load %arg5[%get3A_383, %get3A_384] {strides = array<i32>} : memref<384x128xf32, #tpu.memory_space<vmem>>, vector<16xf32>,
      %get3A_386 = arith.index_cast %add3A_379 : i32 to index
      %get3A_387 = arith.constant 32 : index
      %get3A_388 = tpu.vector_load %arg5[%get3A_386, %get3A_387] {strides = array<i32>} : memref<384x128xf32, #tpu.memory_space<vmem>>, vector<16xf32>,
      %get3A_389 = arith.index_cast %add3A_379 : i32 to index
      %get3A_390 = arith.constant 48 : index
      %get3A_391 = tpu.vector_load %arg5[%get3A_389, %get3A_390] {strides = array<i32>} : memref<384x128xf32, #tpu.memory_space<vmem>>, vector<16xf32>,
      %get3A_392 = arith.index_cast %add3A_379 : i32 to index
      %get3A_393 = arith.constant 64 : index
      %get3A_394 = tpu.vector_load %arg5[%get3A_392, %get3A_393] {strides = array<i32>} : memref<384x128xf32, #tpu.memory_space<vmem>>, vector<16xf32>,
      %get3A_395 = arith.index_cast %add3A_379 : i32 to index
      %get3A_396 = arith.constant 80 : index
      %get3A_397 = tpu.vector_load %arg5[%get3A_395, %get3A_396] {strides = array<i32>} : memref<384x128xf32, #tpu.memory_space<vmem>>, vector<16xf32>,
      %get3A_398 = arith.index_cast %add3A_379 : i32 to index
      %get3A_399 = arith.constant 96 : index
      %get3A_400 = tpu.vector_load %arg5[%get3A_398, %get3A_399] {strides = array<i32>} : memref<384x128xf32, #tpu.memory_space<vmem>>, vector<16xf32>,
      %get3A_401 = arith.index_cast %add3A_379 : i32 to index
      %get3A_402 = arith.constant 112 : index
      %get3A_403 = tpu.vector_load %arg5[%get3A_401, %get3A_402] {strides = array<i32>} : memref<384x128xf32, #tpu.memory_space<vmem>>, vector<16xf32>,
      %add3A_404 = arith.addf %get3A_382, %get3A_385 : vector<16xf32>
      %add3A_405 = arith.addf %get3A_388, %get3A_391 : vector<16xf32>
      %add3A_406 = arith.addf %get3A_394, %get3A_397 : vector<16xf32>
      %add3A_407 = arith.addf %get3A_400, %get3A_403 : vector<16xf32>
      %add3A_408 = arith.addf %add3A_404, %add3A_405 : vector<16xf32>
      %add3A_409 = arith.addf %add3A_406, %add3A_407 : vector<16xf32>
      %add3A_410 = arith.addf %add3A_408, %add3A_409 : vector<16xf32>
      %mul3A_411 = arith.mulf %get3A_382, %get3A_382 : vector<16xf32>
      %mul3A_412 = arith.mulf %get3A_385, %get3A_385 : vector<16xf32>
      %mul3A_413 = arith.mulf %get3A_388, %get3A_388 : vector<16xf32>
      %mul3A_414 = arith.mulf %get3A_391, %get3A_391 : vector<16xf32>
      %mul3A_415 = arith.mulf %get3A_394, %get3A_394 : vector<16xf32>
      %mul3A_416 = arith.mulf %get3A_397, %get3A_397 : vector<16xf32>
      %mul3A_417 = arith.mulf %get3A_400, %get3A_400 : vector<16xf32>
      %mul3A_418 = arith.mulf %get3A_403, %get3A_403 : vector<16xf32>
      %add3A_419 = arith.addf %mul3A_411, %mul3A_412 : vector<16xf32>
      %add3A_420 = arith.addf %mul3A_413, %mul3A_414 : vector<16xf32>
      %add3A_421 = arith.addf %mul3A_415, %mul3A_416 : vector<16xf32>
      %add3A_422 = arith.addf %mul3A_417, %mul3A_418 : vector<16xf32>
      %add3A_423 = arith.addf %add3A_419, %add3A_420 : vector<16xf32>
      %add3A_424 = arith.addf %add3A_421, %add3A_422 : vector<16xf32>
      %add3A_425 = arith.addf %add3A_423, %add3A_424 : vector<16xf32>
      %mul3A_426 = arith.constant 16 : i32
      %mul3A_427 = arith.muli %scan3A_260, %mul3A_426 : i32
      %add3A_428 = arith.constant 3 : i32
      %add3A_429 = arith.addi %mul3A_427, %add3A_428 : i32
      %get3A_430 = arith.index_cast %add3A_429 : i32 to index
      %get3A_431 = arith.constant 0 : index
      %get3A_432 = tpu.vector_load %arg5[%get3A_430, %get3A_431] {strides = array<i32>} : memref<384x128xf32, #tpu.memory_space<vmem>>, vector<16xf32>,
      %get3A_433 = arith.index_cast %add3A_429 : i32 to index
      %get3A_434 = arith.constant 16 : index
      %get3A_435 = tpu.vector_load %arg5[%get3A_433, %get3A_434] {strides = array<i32>} : memref<384x128xf32, #tpu.memory_space<vmem>>, vector<16xf32>,
      %get3A_436 = arith.index_cast %add3A_429 : i32 to index
      %get3A_437 = arith.constant 32 : index
      %get3A_438 = tpu.vector_load %arg5[%get3A_436, %get3A_437] {strides = array<i32>} : memref<384x128xf32, #tpu.memory_space<vmem>>, vector<16xf32>,
      %get3A_439 = arith.index_cast %add3A_429 : i32 to index
      %get3A_440 = arith.constant 48 : index
      %get3A_441 = tpu.vector_load %arg5[%get3A_439, %get3A_440] {strides = array<i32>} : memref<384x128xf32, #tpu.memory_space<vmem>>, vector<16xf32>,
      %get3A_442 = arith.index_cast %add3A_429 : i32 to index
      %get3A_443 = arith.constant 64 : index
      %get3A_444 = tpu.vector_load %arg5[%get3A_442, %get3A_443] {strides = array<i32>} : memref<384x128xf32, #tpu.memory_space<vmem>>, vector<16xf32>,
      %get3A_445 = arith.index_cast %add3A_429 : i32 to index
      %get3A_446 = arith.constant 80 : index
      %get3A_447 = tpu.vector_load %arg5[%get3A_445, %get3A_446] {strides = array<i32>} : memref<384x128xf32, #tpu.memory_space<vmem>>, vector<16xf32>,
      %get3A_448 = arith.index_cast %add3A_429 : i32 to index
      %get3A_449 = arith.constant 96 : index
      %get3A_450 = tpu.vector_load %arg5[%get3A_448, %get3A_449] {strides = array<i32>} : memref<384x128xf32, #tpu.memory_space<vmem>>, vector<16xf32>,
      %get3A_451 = arith.index_cast %add3A_429 : i32 to index
      %get3A_452 = arith.constant 112 : index
      %get3A_453 = tpu.vector_load %arg5[%get3A_451, %get3A_452] {strides = array<i32>} : memref<384x128xf32, #tpu.memory_space<vmem>>, vector<16xf32>,
      %add3A_454 = arith.addf %get3A_432, %get3A_435 : vector<16xf32>
      %add3A_455 = arith.addf %get3A_438, %get3A_441 : vector<16xf32>
      %add3A_456 = arith.addf %get3A_444, %get3A_447 : vector<16xf32>
      %add3A_457 = arith.addf %get3A_450, %get3A_453 : vector<16xf32>
      %add3A_458 = arith.addf %add3A_454, %add3A_455 : vector<16xf32>
      %add3A_459 = arith.addf %add3A_456, %add3A_457 : vector<16xf32>
      %add3A_460 = arith.addf %add3A_458, %add3A_459 : vector<16xf32>
      %mul3A_461 = arith.mulf %get3A_432, %get3A_432 : vector<16xf32>
      %mul3A_462 = arith.mulf %get3A_435, %get3A_435 : vector<16xf32>
      %mul3A_463 = arith.mulf %get3A_438, %get3A_438 : vector<16xf32>
      %mul3A_464 = arith.mulf %get3A_441, %get3A_441 : vector<16xf32>
      %mul3A_465 = arith.mulf %get3A_444, %get3A_444 : vector<16xf32>
      %mul3A_466 = arith.mulf %get3A_447, %get3A_447 : vector<16xf32>
      %mul3A_467 = arith.mulf %get3A_450, %get3A_450 : vector<16xf32>
      %mul3A_468 = arith.mulf %get3A_453, %get3A_453 : vector<16xf32>
      %add3A_469 = arith.addf %mul3A_461, %mul3A_462 : vector<16xf32>
      %add3A_470 = arith.addf %mul3A_463, %mul3A_464 : vector<16xf32>
      %add3A_471 = arith.addf %mul3A_465, %mul3A_466 : vector<16xf32>
      %add3A_472 = arith.addf %mul3A_467, %mul3A_468 : vector<16xf32>
      %add3A_473 = arith.addf %add3A_469, %add3A_470 : vector<16xf32>
      %add3A_474 = arith.addf %add3A_471, %add3A_472 : vector<16xf32>
      %add3A_475 = arith.addf %add3A_473, %add3A_474 : vector<16xf32>
      %mul3A_476 = arith.constant 16 : i32
      %mul3A_477 = arith.muli %scan3A_260, %mul3A_476 : i32
      %add3A_478 = arith.constant 4 : i32
      %add3A_479 = arith.addi %mul3A_477, %add3A_478 : i32
      %get3A_480 = arith.index_cast %add3A_479 : i32 to index
      %get3A_481 = arith.constant 0 : index
      %get3A_482 = tpu.vector_load %arg5[%get3A_480, %get3A_481] {strides = array<i32>} : memref<384x128xf32, #tpu.memory_space<vmem>>, vector<16xf32>,
      %get3A_483 = arith.index_cast %add3A_479 : i32 to index
      %get3A_484 = arith.constant 16 : index
      %get3A_485 = tpu.vector_load %arg5[%get3A_483, %get3A_484] {strides = array<i32>} : memref<384x128xf32, #tpu.memory_space<vmem>>, vector<16xf32>,
      %get3A_486 = arith.index_cast %add3A_479 : i32 to index
      %get3A_487 = arith.constant 32 : index
      %get3A_488 = tpu.vector_load %arg5[%get3A_486, %get3A_487] {strides = array<i32>} : memref<384x128xf32, #tpu.memory_space<vmem>>, vector<16xf32>,
      %get3A_489 = arith.index_cast %add3A_479 : i32 to index
      %get3A_490 = arith.constant 48 : index
      %get3A_491 = tpu.vector_load %arg5[%get3A_489, %get3A_490] {strides = array<i32>} : memref<384x128xf32, #tpu.memory_space<vmem>>, vector<16xf32>,
      %get3A_492 = arith.index_cast %add3A_479 : i32 to index
      %get3A_493 = arith.constant 64 : index
      %get3A_494 = tpu.vector_load %arg5[%get3A_492, %get3A_493] {strides = array<i32>} : memref<384x128xf32, #tpu.memory_space<vmem>>, vector<16xf32>,
      %get3A_495 = arith.index_cast %add3A_479 : i32 to index
      %get3A_496 = arith.constant 80 : index
      %get3A_497 = tpu.vector_load %arg5[%get3A_495, %get3A_496] {strides = array<i32>} : memref<384x128xf32, #tpu.memory_space<vmem>>, vector<16xf32>,
      %get3A_498 = arith.index_cast %add3A_479 : i32 to index
      %get3A_499 = arith.constant 96 : index
      %get3A_500 = tpu.vector_load %arg5[%get3A_498, %get3A_499] {strides = array<i32>} : memref<384x128xf32, #tpu.memory_space<vmem>>, vector<16xf32>,
      %get3A_501 = arith.index_cast %add3A_479 : i32 to index
      %get3A_502 = arith.constant 112 : index
      %get3A_503 = tpu.vector_load %arg5[%get3A_501, %get3A_502] {strides = array<i32>} : memref<384x128xf32, #tpu.memory_space<vmem>>, vector<16xf32>,
      %add3A_504 = arith.addf %get3A_482, %get3A_485 : vector<16xf32>
      %add3A_505 = arith.addf %get3A_488, %get3A_491 : vector<16xf32>
      %add3A_506 = arith.addf %get3A_494, %get3A_497 : vector<16xf32>
      %add3A_507 = arith.addf %get3A_500, %get3A_503 : vector<16xf32>
      %add3A_508 = arith.addf %add3A_504, %add3A_505 : vector<16xf32>
      %add3A_509 = arith.addf %add3A_506, %add3A_507 : vector<16xf32>
      %add3A_510 = arith.addf %add3A_508, %add3A_509 : vector<16xf32>
      %mul3A_511 = arith.mulf %get3A_482, %get3A_482 : vector<16xf32>
      %mul3A_512 = arith.mulf %get3A_485, %get3A_485 : vector<16xf32>
      %mul3A_513 = arith.mulf %get3A_488, %get3A_488 : vector<16xf32>
      %mul3A_514 = arith.mulf %get3A_491, %get3A_491 : vector<16xf32>
      %mul3A_515 = arith.mulf %get3A_494, %get3A_494 : vector<16xf32>
      %mul3A_516 = arith.mulf %get3A_497, %get3A_497 : vector<16xf32>
      %mul3A_517 = arith.mulf %get3A_500, %get3A_500 : vector<16xf32>
      %mul3A_518 = arith.mulf %get3A_503, %get3A_503 : vector<16xf32>
      %add3A_519 = arith.addf %mul3A_511, %mul3A_512 : vector<16xf32>
      %add3A_520 = arith.addf %mul3A_513, %mul3A_514 : vector<16xf32>
      %add3A_521 = arith.addf %mul3A_515, %mul3A_516 : vector<16xf32>
      %add3A_522 = arith.addf %mul3A_517, %mul3A_518 : vector<16xf32>
      %add3A_523 = arith.addf %add3A_519, %add3A_520 : vector<16xf32>
      %add3A_524 = arith.addf %add3A_521, %add3A_522 : vector<16xf32>
      %add3A_525 = arith.addf %add3A_523, %add3A_524 : vector<16xf32>
      %mul3A_526 = arith.constant 16 : i32
      %mul3A_527 = arith.muli %scan3A_260, %mul3A_526 : i32
      %add3A_528 = arith.constant 5 : i32
      %add3A_529 = arith.addi %mul3A_527, %add3A_528 : i32
      %get3A_530 = arith.index_cast %add3A_529 : i32 to index
      %get3A_531 = arith.constant 0 : index
      %get3A_532 = tpu.vector_load %arg5[%get3A_530, %get3A_531] {strides = array<i32>} : memref<384x128xf32, #tpu.memory_space<vmem>>, vector<16xf32>,
      %get3A_533 = arith.index_cast %add3A_529 : i32 to index
      %get3A_534 = arith.constant 16 : index
      %get3A_535 = tpu.vector_load %arg5[%get3A_533, %get3A_534] {strides = array<i32>} : memref<384x128xf32, #tpu.memory_space<vmem>>, vector<16xf32>,
      %get3A_536 = arith.index_cast %add3A_529 : i32 to index
      %get3A_537 = arith.constant 32 : index
      %get3A_538 = tpu.vector_load %arg5[%get3A_536, %get3A_537] {strides = array<i32>} : memref<384x128xf32, #tpu.memory_space<vmem>>, vector<16xf32>,
      %get3A_539 = arith.index_cast %add3A_529 : i32 to index
      %get3A_540 = arith.constant 48 : index
      %get3A_541 = tpu.vector_load %arg5[%get3A_539, %get3A_540] {strides = array<i32>} : memref<384x128xf32, #tpu.memory_space<vmem>>, vector<16xf32>,
      %get3A_542 = arith.index_cast %add3A_529 : i32 to index
      %get3A_543 = arith.constant 64 : index
      %get3A_544 = tpu.vector_load %arg5[%get3A_542, %get3A_543] {strides = array<i32>} : memref<384x128xf32, #tpu.memory_space<vmem>>, vector<16xf32>,
      %get3A_545 = arith.index_cast %add3A_529 : i32 to index
      %get3A_546 = arith.constant 80 : index
      %get3A_547 = tpu.vector_load %arg5[%get3A_545, %get3A_546] {strides = array<i32>} : memref<384x128xf32, #tpu.memory_space<vmem>>, vector<16xf32>,
      %get3A_548 = arith.index_cast %add3A_529 : i32 to index
      %get3A_549 = arith.constant 96 : index
      %get3A_550 = tpu.vector_load %arg5[%get3A_548, %get3A_549] {strides = array<i32>} : memref<384x128xf32, #tpu.memory_space<vmem>>, vector<16xf32>,
      %get3A_551 = arith.index_cast %add3A_529 : i32 to index
      %get3A_552 = arith.constant 112 : index
      %get3A_553 = tpu.vector_load %arg5[%get3A_551, %get3A_552] {strides = array<i32>} : memref<384x128xf32, #tpu.memory_space<vmem>>, vector<16xf32>,
      %add3A_554 = arith.addf %get3A_532, %get3A_535 : vector<16xf32>
      %add3A_555 = arith.addf %get3A_538, %get3A_541 : vector<16xf32>
      %add3A_556 = arith.addf %get3A_544, %get3A_547 : vector<16xf32>
      %add3A_557 = arith.addf %get3A_550, %get3A_553 : vector<16xf32>
      %add3A_558 = arith.addf %add3A_554, %add3A_555 : vector<16xf32>
      %add3A_559 = arith.addf %add3A_556, %add3A_557 : vector<16xf32>
      %add3A_560 = arith.addf %add3A_558, %add3A_559 : vector<16xf32>
      %mul3A_561 = arith.mulf %get3A_532, %get3A_532 : vector<16xf32>
      %mul3A_562 = arith.mulf %get3A_535, %get3A_535 : vector<16xf32>
      %mul3A_563 = arith.mulf %get3A_538, %get3A_538 : vector<16xf32>
      %mul3A_564 = arith.mulf %get3A_541, %get3A_541 : vector<16xf32>
      %mul3A_565 = arith.mulf %get3A_544, %get3A_544 : vector<16xf32>
      %mul3A_566 = arith.mulf %get3A_547, %get3A_547 : vector<16xf32>
      %mul3A_567 = arith.mulf %get3A_550, %get3A_550 : vector<16xf32>
      %mul3A_568 = arith.mulf %get3A_553, %get3A_553 : vector<16xf32>
      %add3A_569 = arith.addf %mul3A_561, %mul3A_562 : vector<16xf32>
      %add3A_570 = arith.addf %mul3A_563, %mul3A_564 : vector<16xf32>
      %add3A_571 = arith.addf %mul3A_565, %mul3A_566 : vector<16xf32>
      %add3A_572 = arith.addf %mul3A_567, %mul3A_568 : vector<16xf32>
      %add3A_573 = arith.addf %add3A_569, %add3A_570 : vector<16xf32>
      %add3A_574 = arith.addf %add3A_571, %add3A_572 : vector<16xf32>
      %add3A_575 = arith.addf %add3A_573, %add3A_574 : vector<16xf32>
      %mul3A_576 = arith.constant 16 : i32
      %mul3A_577 = arith.muli %scan3A_260, %mul3A_576 : i32
      %add3A_578 = arith.constant 6 : i32
      %add3A_579 = arith.addi %mul3A_577, %add3A_578 : i32
      %get3A_580 = arith.index_cast %add3A_579 : i32 to index
      %get3A_581 = arith.constant 0 : index
      %get3A_582 = tpu.vector_load %arg5[%get3A_580, %get3A_581] {strides = array<i32>} : memref<384x128xf32, #tpu.memory_space<vmem>>, vector<16xf32>,
      %get3A_583 = arith.index_cast %add3A_579 : i32 to index
      %get3A_584 = arith.constant 16 : index
      %get3A_585 = tpu.vector_load %arg5[%get3A_583, %get3A_584] {strides = array<i32>} : memref<384x128xf32, #tpu.memory_space<vmem>>, vector<16xf32>,
      %get3A_586 = arith.index_cast %add3A_579 : i32 to index
      %get3A_587 = arith.constant 32 : index
      %get3A_588 = tpu.vector_load %arg5[%get3A_586, %get3A_587] {strides = array<i32>} : memref<384x128xf32, #tpu.memory_space<vmem>>, vector<16xf32>,
      %get3A_589 = arith.index_cast %add3A_579 : i32 to index
      %get3A_590 = arith.constant 48 : index
      %get3A_591 = tpu.vector_load %arg5[%get3A_589, %get3A_590] {strides = array<i32>} : memref<384x128xf32, #tpu.memory_space<vmem>>, vector<16xf32>,
      %get3A_592 = arith.index_cast %add3A_579 : i32 to index
      %get3A_593 = arith.constant 64 : index
      %get3A_594 = tpu.vector_load %arg5[%get3A_592, %get3A_593] {strides = array<i32>} : memref<384x128xf32, #tpu.memory_space<vmem>>, vector<16xf32>,
      %get3A_595 = arith.index_cast %add3A_579 : i32 to index
      %get3A_596 = arith.constant 80 : index
      %get3A_597 = tpu.vector_load %arg5[%get3A_595, %get3A_596] {strides = array<i32>} : memref<384x128xf32, #tpu.memory_space<vmem>>, vector<16xf32>,
      %get3A_598 = arith.index_cast %add3A_579 : i32 to index
      %get3A_599 = arith.constant 96 : index
      %get3A_600 = tpu.vector_load %arg5[%get3A_598, %get3A_599] {strides = array<i32>} : memref<384x128xf32, #tpu.memory_space<vmem>>, vector<16xf32>,
      %get3A_601 = arith.index_cast %add3A_579 : i32 to index
      %get3A_602 = arith.constant 112 : index
      %get3A_603 = tpu.vector_load %arg5[%get3A_601, %get3A_602] {strides = array<i32>} : memref<384x128xf32, #tpu.memory_space<vmem>>, vector<16xf32>,
      %add3A_604 = arith.addf %get3A_582, %get3A_585 : vector<16xf32>
      %add3A_605 = arith.addf %get3A_588, %get3A_591 : vector<16xf32>
      %add3A_606 = arith.addf %get3A_594, %get3A_597 : vector<16xf32>
      %add3A_607 = arith.addf %get3A_600, %get3A_603 : vector<16xf32>
      %add3A_608 = arith.addf %add3A_604, %add3A_605 : vector<16xf32>
      %add3A_609 = arith.addf %add3A_606, %add3A_607 : vector<16xf32>
      %add3A_610 = arith.addf %add3A_608, %add3A_609 : vector<16xf32>
      %mul3A_611 = arith.mulf %get3A_582, %get3A_582 : vector<16xf32>
      %mul3A_612 = arith.mulf %get3A_585, %get3A_585 : vector<16xf32>
      %mul3A_613 = arith.mulf %get3A_588, %get3A_588 : vector<16xf32>
      %mul3A_614 = arith.mulf %get3A_591, %get3A_591 : vector<16xf32>
      %mul3A_615 = arith.mulf %get3A_594, %get3A_594 : vector<16xf32>
      %mul3A_616 = arith.mulf %get3A_597, %get3A_597 : vector<16xf32>
      %mul3A_617 = arith.mulf %get3A_600, %get3A_600 : vector<16xf32>
      %mul3A_618 = arith.mulf %get3A_603, %get3A_603 : vector<16xf32>
      %add3A_619 = arith.addf %mul3A_611, %mul3A_612 : vector<16xf32>
      %add3A_620 = arith.addf %mul3A_613, %mul3A_614 : vector<16xf32>
      %add3A_621 = arith.addf %mul3A_615, %mul3A_616 : vector<16xf32>
      %add3A_622 = arith.addf %mul3A_617, %mul3A_618 : vector<16xf32>
      %add3A_623 = arith.addf %add3A_619, %add3A_620 : vector<16xf32>
      %add3A_624 = arith.addf %add3A_621, %add3A_622 : vector<16xf32>
      %add3A_625 = arith.addf %add3A_623, %add3A_624 : vector<16xf32>
      %mul3A_626 = arith.constant 16 : i32
      %mul3A_627 = arith.muli %scan3A_260, %mul3A_626 : i32
      %add3A_628 = arith.constant 7 : i32
      %add3A_629 = arith.addi %mul3A_627, %add3A_628 : i32
      %get3A_630 = arith.index_cast %add3A_629 : i32 to index
      %get3A_631 = arith.constant 0 : index
      %get3A_632 = tpu.vector_load %arg5[%get3A_630, %get3A_631] {strides = array<i32>} : memref<384x128xf32, #tpu.memory_space<vmem>>, vector<16xf32>,
      %get3A_633 = arith.index_cast %add3A_629 : i32 to index
      %get3A_634 = arith.constant 16 : index
      %get3A_635 = tpu.vector_load %arg5[%get3A_633, %get3A_634] {strides = array<i32>} : memref<384x128xf32, #tpu.memory_space<vmem>>, vector<16xf32>,
      %get3A_636 = arith.index_cast %add3A_629 : i32 to index
      %get3A_637 = arith.constant 32 : index
      %get3A_638 = tpu.vector_load %arg5[%get3A_636, %get3A_637] {strides = array<i32>} : memref<384x128xf32, #tpu.memory_space<vmem>>, vector<16xf32>,
      %get3A_639 = arith.index_cast %add3A_629 : i32 to index
      %get3A_640 = arith.constant 48 : index
      %get3A_641 = tpu.vector_load %arg5[%get3A_639, %get3A_640] {strides = array<i32>} : memref<384x128xf32, #tpu.memory_space<vmem>>, vector<16xf32>,
      %get3A_642 = arith.index_cast %add3A_629 : i32 to index
      %get3A_643 = arith.constant 64 : index
      %get3A_644 = tpu.vector_load %arg5[%get3A_642, %get3A_643] {strides = array<i32>} : memref<384x128xf32, #tpu.memory_space<vmem>>, vector<16xf32>,
      %get3A_645 = arith.index_cast %add3A_629 : i32 to index
      %get3A_646 = arith.constant 80 : index
      %get3A_647 = tpu.vector_load %arg5[%get3A_645, %get3A_646] {strides = array<i32>} : memref<384x128xf32, #tpu.memory_space<vmem>>, vector<16xf32>,
      %get3A_648 = arith.index_cast %add3A_629 : i32 to index
      %get3A_649 = arith.constant 96 : index
      %get3A_650 = tpu.vector_load %arg5[%get3A_648, %get3A_649] {strides = array<i32>} : memref<384x128xf32, #tpu.memory_space<vmem>>, vector<16xf32>,
      %get3A_651 = arith.index_cast %add3A_629 : i32 to index
      %get3A_652 = arith.constant 112 : index
      %get3A_653 = tpu.vector_load %arg5[%get3A_651, %get3A_652] {strides = array<i32>} : memref<384x128xf32, #tpu.memory_space<vmem>>, vector<16xf32>,
      %add3A_654 = arith.addf %get3A_632, %get3A_635 : vector<16xf32>
      %add3A_655 = arith.addf %get3A_638, %get3A_641 : vector<16xf32>
      %add3A_656 = arith.addf %get3A_644, %get3A_647 : vector<16xf32>
      %add3A_657 = arith.addf %get3A_650, %get3A_653 : vector<16xf32>
      %add3A_658 = arith.addf %add3A_654, %add3A_655 : vector<16xf32>
      %add3A_659 = arith.addf %add3A_656, %add3A_657 : vector<16xf32>
      %add3A_660 = arith.addf %add3A_658, %add3A_659 : vector<16xf32>
      %mul3A_661 = arith.mulf %get3A_632, %get3A_632 : vector<16xf32>
      %mul3A_662 = arith.mulf %get3A_635, %get3A_635 : vector<16xf32>
      %mul3A_663 = arith.mulf %get3A_638, %get3A_638 : vector<16xf32>
      %mul3A_664 = arith.mulf %get3A_641, %get3A_641 : vector<16xf32>
      %mul3A_665 = arith.mulf %get3A_644, %get3A_644 : vector<16xf32>
      %mul3A_666 = arith.mulf %get3A_647, %get3A_647 : vector<16xf32>
      %mul3A_667 = arith.mulf %get3A_650, %get3A_650 : vector<16xf32>
      %mul3A_668 = arith.mulf %get3A_653, %get3A_653 : vector<16xf32>
      %add3A_669 = arith.addf %mul3A_661, %mul3A_662 : vector<16xf32>
      %add3A_670 = arith.addf %mul3A_663, %mul3A_664 : vector<16xf32>
      %add3A_671 = arith.addf %mul3A_665, %mul3A_666 : vector<16xf32>
      %add3A_672 = arith.addf %mul3A_667, %mul3A_668 : vector<16xf32>
      %add3A_673 = arith.addf %add3A_669, %add3A_670 : vector<16xf32>
      %add3A_674 = arith.addf %add3A_671, %add3A_672 : vector<16xf32>
      %add3A_675 = arith.addf %add3A_673, %add3A_674 : vector<16xf32>
      %mul3A_676 = arith.constant 16 : i32
      %mul3A_677 = arith.muli %scan3A_260, %mul3A_676 : i32
      %add3A_678 = arith.constant 8 : i32
      %add3A_679 = arith.addi %mul3A_677, %add3A_678 : i32
      %get3A_680 = arith.index_cast %add3A_679 : i32 to index
      %get3A_681 = arith.constant 0 : index
      %get3A_682 = tpu.vector_load %arg5[%get3A_680, %get3A_681] {strides = array<i32>} : memref<384x128xf32, #tpu.memory_space<vmem>>, vector<16xf32>,
      %get3A_683 = arith.index_cast %add3A_679 : i32 to index
      %get3A_684 = arith.constant 16 : index
      %get3A_685 = tpu.vector_load %arg5[%get3A_683, %get3A_684] {strides = array<i32>} : memref<384x128xf32, #tpu.memory_space<vmem>>, vector<16xf32>,
      %get3A_686 = arith.index_cast %add3A_679 : i32 to index
      %get3A_687 = arith.constant 32 : index
      %get3A_688 = tpu.vector_load %arg5[%get3A_686, %get3A_687] {strides = array<i32>} : memref<384x128xf32, #tpu.memory_space<vmem>>, vector<16xf32>,
      %get3A_689 = arith.index_cast %add3A_679 : i32 to index
      %get3A_690 = arith.constant 48 : index
      %get3A_691 = tpu.vector_load %arg5[%get3A_689, %get3A_690] {strides = array<i32>} : memref<384x128xf32, #tpu.memory_space<vmem>>, vector<16xf32>,
      %get3A_692 = arith.index_cast %add3A_679 : i32 to index
      %get3A_693 = arith.constant 64 : index
      %get3A_694 = tpu.vector_load %arg5[%get3A_692, %get3A_693] {strides = array<i32>} : memref<384x128xf32, #tpu.memory_space<vmem>>, vector<16xf32>,
      %get3A_695 = arith.index_cast %add3A_679 : i32 to index
      %get3A_696 = arith.constant 80 : index
      %get3A_697 = tpu.vector_load %arg5[%get3A_695, %get3A_696] {strides = array<i32>} : memref<384x128xf32, #tpu.memory_space<vmem>>, vector<16xf32>,
      %get3A_698 = arith.index_cast %add3A_679 : i32 to index
      %get3A_699 = arith.constant 96 : index
      %get3A_700 = tpu.vector_load %arg5[%get3A_698, %get3A_699] {strides = array<i32>} : memref<384x128xf32, #tpu.memory_space<vmem>>, vector<16xf32>,
      %get3A_701 = arith.index_cast %add3A_679 : i32 to index
      %get3A_702 = arith.constant 112 : index
      %get3A_703 = tpu.vector_load %arg5[%get3A_701, %get3A_702] {strides = array<i32>} : memref<384x128xf32, #tpu.memory_space<vmem>>, vector<16xf32>,
      %add3A_704 = arith.addf %get3A_682, %get3A_685 : vector<16xf32>
      %add3A_705 = arith.addf %get3A_688, %get3A_691 : vector<16xf32>
      %add3A_706 = arith.addf %get3A_694, %get3A_697 : vector<16xf32>
      %add3A_707 = arith.addf %get3A_700, %get3A_703 : vector<16xf32>
      %add3A_708 = arith.addf %add3A_704, %add3A_705 : vector<16xf32>
      %add3A_709 = arith.addf %add3A_706, %add3A_707 : vector<16xf32>
      %add3A_710 = arith.addf %add3A_708, %add3A_709 : vector<16xf32>
      %mul3A_711 = arith.mulf %get3A_682, %get3A_682 : vector<16xf32>
      %mul3A_712 = arith.mulf %get3A_685, %get3A_685 : vector<16xf32>
      %mul3A_713 = arith.mulf %get3A_688, %get3A_688 : vector<16xf32>
      %mul3A_714 = arith.mulf %get3A_691, %get3A_691 : vector<16xf32>
      %mul3A_715 = arith.mulf %get3A_694, %get3A_694 : vector<16xf32>
      %mul3A_716 = arith.mulf %get3A_697, %get3A_697 : vector<16xf32>
      %mul3A_717 = arith.mulf %get3A_700, %get3A_700 : vector<16xf32>
      %mul3A_718 = arith.mulf %get3A_703, %get3A_703 : vector<16xf32>
      %add3A_719 = arith.addf %mul3A_711, %mul3A_712 : vector<16xf32>
      %add3A_720 = arith.addf %mul3A_713, %mul3A_714 : vector<16xf32>
      %add3A_721 = arith.addf %mul3A_715, %mul3A_716 : vector<16xf32>
      %add3A_722 = arith.addf %mul3A_717, %mul3A_718 : vector<16xf32>
      %add3A_723 = arith.addf %add3A_719, %add3A_720 : vector<16xf32>
      %add3A_724 = arith.addf %add3A_721, %add3A_722 : vector<16xf32>
      %add3A_725 = arith.addf %add3A_723, %add3A_724 : vector<16xf32>
      %mul3A_726 = arith.constant 16 : i32
      %mul3A_727 = arith.muli %scan3A_260, %mul3A_726 : i32
      %add3A_728 = arith.constant 9 : i32
      %add3A_729 = arith.addi %mul3A_727, %add3A_728 : i32
      %get3A_730 = arith.index_cast %add3A_729 : i32 to index
      %get3A_731 = arith.constant 0 : index
      %get3A_732 = tpu.vector_load %arg5[%get3A_730, %get3A_731] {strides = array<i32>} : memref<384x128xf32, #tpu.memory_space<vmem>>, vector<16xf32>,
      %get3A_733 = arith.index_cast %add3A_729 : i32 to index
      %get3A_734 = arith.constant 16 : index
      %get3A_735 = tpu.vector_load %arg5[%get3A_733, %get3A_734] {strides = array<i32>} : memref<384x128xf32, #tpu.memory_space<vmem>>, vector<16xf32>,
      %get3A_736 = arith.index_cast %add3A_729 : i32 to index
      %get3A_737 = arith.constant 32 : index
      %get3A_738 = tpu.vector_load %arg5[%get3A_736, %get3A_737] {strides = array<i32>} : memref<384x128xf32, #tpu.memory_space<vmem>>, vector<16xf32>,
      %get3A_739 = arith.index_cast %add3A_729 : i32 to index
      %get3A_740 = arith.constant 48 : index
      %get3A_741 = tpu.vector_load %arg5[%get3A_739, %get3A_740] {strides = array<i32>} : memref<384x128xf32, #tpu.memory_space<vmem>>, vector<16xf32>,
      %get3A_742 = arith.index_cast %add3A_729 : i32 to index
      %get3A_743 = arith.constant 64 : index
      %get3A_744 = tpu.vector_load %arg5[%get3A_742, %get3A_743] {strides = array<i32>} : memref<384x128xf32, #tpu.memory_space<vmem>>, vector<16xf32>,
      %get3A_745 = arith.index_cast %add3A_729 : i32 to index
      %get3A_746 = arith.constant 80 : index
      %get3A_747 = tpu.vector_load %arg5[%get3A_745, %get3A_746] {strides = array<i32>} : memref<384x128xf32, #tpu.memory_space<vmem>>, vector<16xf32>,
      %get3A_748 = arith.index_cast %add3A_729 : i32 to index
      %get3A_749 = arith.constant 96 : index
      %get3A_750 = tpu.vector_load %arg5[%get3A_748, %get3A_749] {strides = array<i32>} : memref<384x128xf32, #tpu.memory_space<vmem>>, vector<16xf32>,
      %get3A_751 = arith.index_cast %add3A_729 : i32 to index
      %get3A_752 = arith.constant 112 : index
      %get3A_753 = tpu.vector_load %arg5[%get3A_751, %get3A_752] {strides = array<i32>} : memref<384x128xf32, #tpu.memory_space<vmem>>, vector<16xf32>,
      %add3A_754 = arith.addf %get3A_732, %get3A_735 : vector<16xf32>
      %add3A_755 = arith.addf %get3A_738, %get3A_741 : vector<16xf32>
      %add3A_756 = arith.addf %get3A_744, %get3A_747 : vector<16xf32>
      %add3A_757 = arith.addf %get3A_750, %get3A_753 : vector<16xf32>
      %add3A_758 = arith.addf %add3A_754, %add3A_755 : vector<16xf32>
      %add3A_759 = arith.addf %add3A_756, %add3A_757 : vector<16xf32>
      %add3A_760 = arith.addf %add3A_758, %add3A_759 : vector<16xf32>
      %mul3A_761 = arith.mulf %get3A_732, %get3A_732 : vector<16xf32>
      %mul3A_762 = arith.mulf %get3A_735, %get3A_735 : vector<16xf32>
      %mul3A_763 = arith.mulf %get3A_738, %get3A_738 : vector<16xf32>
      %mul3A_764 = arith.mulf %get3A_741, %get3A_741 : vector<16xf32>
      %mul3A_765 = arith.mulf %get3A_744, %get3A_744 : vector<16xf32>
      %mul3A_766 = arith.mulf %get3A_747, %get3A_747 : vector<16xf32>
      %mul3A_767 = arith.mulf %get3A_750, %get3A_750 : vector<16xf32>
      %mul3A_768 = arith.mulf %get3A_753, %get3A_753 : vector<16xf32>
      %add3A_769 = arith.addf %mul3A_761, %mul3A_762 : vector<16xf32>
      %add3A_770 = arith.addf %mul3A_763, %mul3A_764 : vector<16xf32>
      %add3A_771 = arith.addf %mul3A_765, %mul3A_766 : vector<16xf32>
      %add3A_772 = arith.addf %mul3A_767, %mul3A_768 : vector<16xf32>
      %add3A_773 = arith.addf %add3A_769, %add3A_770 : vector<16xf32>
      %add3A_774 = arith.addf %add3A_771, %add3A_772 : vector<16xf32>
      %add3A_775 = arith.addf %add3A_773, %add3A_774 : vector<16xf32>
      %mul3A_776 = arith.constant 16 : i32
      %mul3A_777 = arith.muli %scan3A_260, %mul3A_776 : i32
      %add3A_778 = arith.constant 10 : i32
      %add3A_779 = arith.addi %mul3A_777, %add3A_778 : i32
      %get3A_780 = arith.index_cast %add3A_779 : i32 to index
      %get3A_781 = arith.constant 0 : index
      %get3A_782 = tpu.vector_load %arg5[%get3A_780, %get3A_781] {strides = array<i32>} : memref<384x128xf32, #tpu.memory_space<vmem>>, vector<16xf32>,
      %get3A_783 = arith.index_cast %add3A_779 : i32 to index
      %get3A_784 = arith.constant 16 : index
      %get3A_785 = tpu.vector_load %arg5[%get3A_783, %get3A_784] {strides = array<i32>} : memref<384x128xf32, #tpu.memory_space<vmem>>, vector<16xf32>,
      %get3A_786 = arith.index_cast %add3A_779 : i32 to index
      %get3A_787 = arith.constant 32 : index
      %get3A_788 = tpu.vector_load %arg5[%get3A_786, %get3A_787] {strides = array<i32>} : memref<384x128xf32, #tpu.memory_space<vmem>>, vector<16xf32>,
      %get3A_789 = arith.index_cast %add3A_779 : i32 to index
      %get3A_790 = arith.constant 48 : index
      %get3A_791 = tpu.vector_load %arg5[%get3A_789, %get3A_790] {strides = array<i32>} : memref<384x128xf32, #tpu.memory_space<vmem>>, vector<16xf32>,
      %get3A_792 = arith.index_cast %add3A_779 : i32 to index
      %get3A_793 = arith.constant 64 : index
      %get3A_794 = tpu.vector_load %arg5[%get3A_792, %get3A_793] {strides = array<i32>} : memref<384x128xf32, #tpu.memory_space<vmem>>, vector<16xf32>,
      %get3A_795 = arith.index_cast %add3A_779 : i32 to index
      %get3A_796 = arith.constant 80 : index
      %get3A_797 = tpu.vector_load %arg5[%get3A_795, %get3A_796] {strides = array<i32>} : memref<384x128xf32, #tpu.memory_space<vmem>>, vector<16xf32>,
      %get3A_798 = arith.index_cast %add3A_779 : i32 to index
      %get3A_799 = arith.constant 96 : index
      %get3A_800 = tpu.vector_load %arg5[%get3A_798, %get3A_799] {strides = array<i32>} : memref<384x128xf32, #tpu.memory_space<vmem>>, vector<16xf32>,
      %get3A_801 = arith.index_cast %add3A_779 : i32 to index
      %get3A_802 = arith.constant 112 : index
      %get3A_803 = tpu.vector_load %arg5[%get3A_801, %get3A_802] {strides = array<i32>} : memref<384x128xf32, #tpu.memory_space<vmem>>, vector<16xf32>,
      %add3A_804 = arith.addf %get3A_782, %get3A_785 : vector<16xf32>
      %add3A_805 = arith.addf %get3A_788, %get3A_791 : vector<16xf32>
      %add3A_806 = arith.addf %get3A_794, %get3A_797 : vector<16xf32>
      %add3A_807 = arith.addf %get3A_800, %get3A_803 : vector<16xf32>
      %add3A_808 = arith.addf %add3A_804, %add3A_805 : vector<16xf32>
      %add3A_809 = arith.addf %add3A_806, %add3A_807 : vector<16xf32>
      %add3A_810 = arith.addf %add3A_808, %add3A_809 : vector<16xf32>
      %mul3A_811 = arith.mulf %get3A_782, %get3A_782 : vector<16xf32>
      %mul3A_812 = arith.mulf %get3A_785, %get3A_785 : vector<16xf32>
      %mul3A_813 = arith.mulf %get3A_788, %get3A_788 : vector<16xf32>
      %mul3A_814 = arith.mulf %get3A_791, %get3A_791 : vector<16xf32>
      %mul3A_815 = arith.mulf %get3A_794, %get3A_794 : vector<16xf32>
      %mul3A_816 = arith.mulf %get3A_797, %get3A_797 : vector<16xf32>
      %mul3A_817 = arith.mulf %get3A_800, %get3A_800 : vector<16xf32>
      %mul3A_818 = arith.mulf %get3A_803, %get3A_803 : vector<16xf32>
      %add3A_819 = arith.addf %mul3A_811, %mul3A_812 : vector<16xf32>
      %add3A_820 = arith.addf %mul3A_813, %mul3A_814 : vector<16xf32>
      %add3A_821 = arith.addf %mul3A_815, %mul3A_816 : vector<16xf32>
      %add3A_822 = arith.addf %mul3A_817, %mul3A_818 : vector<16xf32>
      %add3A_823 = arith.addf %add3A_819, %add3A_820 : vector<16xf32>
      %add3A_824 = arith.addf %add3A_821, %add3A_822 : vector<16xf32>
      %add3A_825 = arith.addf %add3A_823, %add3A_824 : vector<16xf32>
      %mul3A_826 = arith.constant 16 : i32
      %mul3A_827 = arith.muli %scan3A_260, %mul3A_826 : i32
      %add3A_828 = arith.constant 11 : i32
      %add3A_829 = arith.addi %mul3A_827, %add3A_828 : i32
      %get3A_830 = arith.index_cast %add3A_829 : i32 to index
      %get3A_831 = arith.constant 0 : index
      %get3A_832 = tpu.vector_load %arg5[%get3A_830, %get3A_831] {strides = array<i32>} : memref<384x128xf32, #tpu.memory_space<vmem>>, vector<16xf32>,
      %get3A_833 = arith.index_cast %add3A_829 : i32 to index
      %get3A_834 = arith.constant 16 : index
      %get3A_835 = tpu.vector_load %arg5[%get3A_833, %get3A_834] {strides = array<i32>} : memref<384x128xf32, #tpu.memory_space<vmem>>, vector<16xf32>,
      %get3A_836 = arith.index_cast %add3A_829 : i32 to index
      %get3A_837 = arith.constant 32 : index
      %get3A_838 = tpu.vector_load %arg5[%get3A_836, %get3A_837] {strides = array<i32>} : memref<384x128xf32, #tpu.memory_space<vmem>>, vector<16xf32>,
      %get3A_839 = arith.index_cast %add3A_829 : i32 to index
      %get3A_840 = arith.constant 48 : index
      %get3A_841 = tpu.vector_load %arg5[%get3A_839, %get3A_840] {strides = array<i32>} : memref<384x128xf32, #tpu.memory_space<vmem>>, vector<16xf32>,
      %get3A_842 = arith.index_cast %add3A_829 : i32 to index
      %get3A_843 = arith.constant 64 : index
      %get3A_844 = tpu.vector_load %arg5[%get3A_842, %get3A_843] {strides = array<i32>} : memref<384x128xf32, #tpu.memory_space<vmem>>, vector<16xf32>,
      %get3A_845 = arith.index_cast %add3A_829 : i32 to index
      %get3A_846 = arith.constant 80 : index
      %get3A_847 = tpu.vector_load %arg5[%get3A_845, %get3A_846] {strides = array<i32>} : memref<384x128xf32, #tpu.memory_space<vmem>>, vector<16xf32>,
      %get3A_848 = arith.index_cast %add3A_829 : i32 to index
      %get3A_849 = arith.constant 96 : index
      %get3A_850 = tpu.vector_load %arg5[%get3A_848, %get3A_849] {strides = array<i32>} : memref<384x128xf32, #tpu.memory_space<vmem>>, vector<16xf32>,
      %get3A_851 = arith.index_cast %add3A_829 : i32 to index
      %get3A_852 = arith.constant 112 : index
      %get3A_853 = tpu.vector_load %arg5[%get3A_851, %get3A_852] {strides = array<i32>} : memref<384x128xf32, #tpu.memory_space<vmem>>, vector<16xf32>,
      %add3A_854 = arith.addf %get3A_832, %get3A_835 : vector<16xf32>
      %add3A_855 = arith.addf %get3A_838, %get3A_841 : vector<16xf32>
      %add3A_856 = arith.addf %get3A_844, %get3A_847 : vector<16xf32>
      %add3A_857 = arith.addf %get3A_850, %get3A_853 : vector<16xf32>
      %add3A_858 = arith.addf %add3A_854, %add3A_855 : vector<16xf32>
      %add3A_859 = arith.addf %add3A_856, %add3A_857 : vector<16xf32>
      %add3A_860 = arith.addf %add3A_858, %add3A_859 : vector<16xf32>
      %mul3A_861 = arith.mulf %get3A_832, %get3A_832 : vector<16xf32>
      %mul3A_862 = arith.mulf %get3A_835, %get3A_835 : vector<16xf32>
      %mul3A_863 = arith.mulf %get3A_838, %get3A_838 : vector<16xf32>
      %mul3A_864 = arith.mulf %get3A_841, %get3A_841 : vector<16xf32>
      %mul3A_865 = arith.mulf %get3A_844, %get3A_844 : vector<16xf32>
      %mul3A_866 = arith.mulf %get3A_847, %get3A_847 : vector<16xf32>
      %mul3A_867 = arith.mulf %get3A_850, %get3A_850 : vector<16xf32>
      %mul3A_868 = arith.mulf %get3A_853, %get3A_853 : vector<16xf32>
      %add3A_869 = arith.addf %mul3A_861, %mul3A_862 : vector<16xf32>
      %add3A_870 = arith.addf %mul3A_863, %mul3A_864 : vector<16xf32>
      %add3A_871 = arith.addf %mul3A_865, %mul3A_866 : vector<16xf32>
      %add3A_872 = arith.addf %mul3A_867, %mul3A_868 : vector<16xf32>
      %add3A_873 = arith.addf %add3A_869, %add3A_870 : vector<16xf32>
      %add3A_874 = arith.addf %add3A_871, %add3A_872 : vector<16xf32>
      %add3A_875 = arith.addf %add3A_873, %add3A_874 : vector<16xf32>
      %mul3A_876 = arith.constant 16 : i32
      %mul3A_877 = arith.muli %scan3A_260, %mul3A_876 : i32
      %add3A_878 = arith.constant 12 : i32
      %add3A_879 = arith.addi %mul3A_877, %add3A_878 : i32
      %get3A_880 = arith.index_cast %add3A_879 : i32 to index
      %get3A_881 = arith.constant 0 : index
      %get3A_882 = tpu.vector_load %arg5[%get3A_880, %get3A_881] {strides = array<i32>} : memref<384x128xf32, #tpu.memory_space<vmem>>, vector<16xf32>,
      %get3A_883 = arith.index_cast %add3A_879 : i32 to index
      %get3A_884 = arith.constant 16 : index
      %get3A_885 = tpu.vector_load %arg5[%get3A_883, %get3A_884] {strides = array<i32>} : memref<384x128xf32, #tpu.memory_space<vmem>>, vector<16xf32>,
      %get3A_886 = arith.index_cast %add3A_879 : i32 to index
      %get3A_887 = arith.constant 32 : index
      %get3A_888 = tpu.vector_load %arg5[%get3A_886, %get3A_887] {strides = array<i32>} : memref<384x128xf32, #tpu.memory_space<vmem>>, vector<16xf32>,
      %get3A_889 = arith.index_cast %add3A_879 : i32 to index
      %get3A_890 = arith.constant 48 : index
      %get3A_891 = tpu.vector_load %arg5[%get3A_889, %get3A_890] {strides = array<i32>} : memref<384x128xf32, #tpu.memory_space<vmem>>, vector<16xf32>,
      %get3A_892 = arith.index_cast %add3A_879 : i32 to index
      %get3A_893 = arith.constant 64 : index
      %get3A_894 = tpu.vector_load %arg5[%get3A_892, %get3A_893] {strides = array<i32>} : memref<384x128xf32, #tpu.memory_space<vmem>>, vector<16xf32>,
      %get3A_895 = arith.index_cast %add3A_879 : i32 to index
      %get3A_896 = arith.constant 80 : index
      %get3A_897 = tpu.vector_load %arg5[%get3A_895, %get3A_896] {strides = array<i32>} : memref<384x128xf32, #tpu.memory_space<vmem>>, vector<16xf32>,
      %get3A_898 = arith.index_cast %add3A_879 : i32 to index
      %get3A_899 = arith.constant 96 : index
      %get3A_900 = tpu.vector_load %arg5[%get3A_898, %get3A_899] {strides = array<i32>} : memref<384x128xf32, #tpu.memory_space<vmem>>, vector<16xf32>,
      %get3A_901 = arith.index_cast %add3A_879 : i32 to index
      %get3A_902 = arith.constant 112 : index
      %get3A_903 = tpu.vector_load %arg5[%get3A_901, %get3A_902] {strides = array<i32>} : memref<384x128xf32, #tpu.memory_space<vmem>>, vector<16xf32>,
      %add3A_904 = arith.addf %get3A_882, %get3A_885 : vector<16xf32>
      %add3A_905 = arith.addf %get3A_888, %get3A_891 : vector<16xf32>
      %add3A_906 = arith.addf %get3A_894, %get3A_897 : vector<16xf32>
      %add3A_907 = arith.addf %get3A_900, %get3A_903 : vector<16xf32>
      %add3A_908 = arith.addf %add3A_904, %add3A_905 : vector<16xf32>
      %add3A_909 = arith.addf %add3A_906, %add3A_907 : vector<16xf32>
      %add3A_910 = arith.addf %add3A_908, %add3A_909 : vector<16xf32>
      %mul3A_911 = arith.mulf %get3A_882, %get3A_882 : vector<16xf32>
      %mul3A_912 = arith.mulf %get3A_885, %get3A_885 : vector<16xf32>
      %mul3A_913 = arith.mulf %get3A_888, %get3A_888 : vector<16xf32>
      %mul3A_914 = arith.mulf %get3A_891, %get3A_891 : vector<16xf32>
      %mul3A_915 = arith.mulf %get3A_894, %get3A_894 : vector<16xf32>
      %mul3A_916 = arith.mulf %get3A_897, %get3A_897 : vector<16xf32>
      %mul3A_917 = arith.mulf %get3A_900, %get3A_900 : vector<16xf32>
      %mul3A_918 = arith.mulf %get3A_903, %get3A_903 : vector<16xf32>
      %add3A_919 = arith.addf %mul3A_911, %mul3A_912 : vector<16xf32>
      %add3A_920 = arith.addf %mul3A_913, %mul3A_914 : vector<16xf32>
      %add3A_921 = arith.addf %mul3A_915, %mul3A_916 : vector<16xf32>
      %add3A_922 = arith.addf %mul3A_917, %mul3A_918 : vector<16xf32>
      %add3A_923 = arith.addf %add3A_919, %add3A_920 : vector<16xf32>
      %add3A_924 = arith.addf %add3A_921, %add3A_922 : vector<16xf32>
      %add3A_925 = arith.addf %add3A_923, %add3A_924 : vector<16xf32>
      %mul3A_926 = arith.constant 16 : i32
      %mul3A_927 = arith.muli %scan3A_260, %mul3A_926 : i32
      %add3A_928 = arith.constant 13 : i32
      %add3A_929 = arith.addi %mul3A_927, %add3A_928 : i32
      %get3A_930 = arith.index_cast %add3A_929 : i32 to index
      %get3A_931 = arith.constant 0 : index
      %get3A_932 = tpu.vector_load %arg5[%get3A_930, %get3A_931] {strides = array<i32>} : memref<384x128xf32, #tpu.memory_space<vmem>>, vector<16xf32>,
      %get3A_933 = arith.index_cast %add3A_929 : i32 to index
      %get3A_934 = arith.constant 16 : index
      %get3A_935 = tpu.vector_load %arg5[%get3A_933, %get3A_934] {strides = array<i32>} : memref<384x128xf32, #tpu.memory_space<vmem>>, vector<16xf32>,
      %get3A_936 = arith.index_cast %add3A_929 : i32 to index
      %get3A_937 = arith.constant 32 : index
      %get3A_938 = tpu.vector_load %arg5[%get3A_936, %get3A_937] {strides = array<i32>} : memref<384x128xf32, #tpu.memory_space<vmem>>, vector<16xf32>,
      %get3A_939 = arith.index_cast %add3A_929 : i32 to index
      %get3A_940 = arith.constant 48 : index
      %get3A_941 = tpu.vector_load %arg5[%get3A_939, %get3A_940] {strides = array<i32>} : memref<384x128xf32, #tpu.memory_space<vmem>>, vector<16xf32>,
      %get3A_942 = arith.index_cast %add3A_929 : i32 to index
      %get3A_943 = arith.constant 64 : index
      %get3A_944 = tpu.vector_load %arg5[%get3A_942, %get3A_943] {strides = array<i32>} : memref<384x128xf32, #tpu.memory_space<vmem>>, vector<16xf32>,
      %get3A_945 = arith.index_cast %add3A_929 : i32 to index
      %get3A_946 = arith.constant 80 : index
      %get3A_947 = tpu.vector_load %arg5[%get3A_945, %get3A_946] {strides = array<i32>} : memref<384x128xf32, #tpu.memory_space<vmem>>, vector<16xf32>,
      %get3A_948 = arith.index_cast %add3A_929 : i32 to index
      %get3A_949 = arith.constant 96 : index
      %get3A_950 = tpu.vector_load %arg5[%get3A_948, %get3A_949] {strides = array<i32>} : memref<384x128xf32, #tpu.memory_space<vmem>>, vector<16xf32>,
      %get3A_951 = arith.index_cast %add3A_929 : i32 to index
      %get3A_952 = arith.constant 112 : index
      %get3A_953 = tpu.vector_load %arg5[%get3A_951, %get3A_952] {strides = array<i32>} : memref<384x128xf32, #tpu.memory_space<vmem>>, vector<16xf32>,
      %add3A_954 = arith.addf %get3A_932, %get3A_935 : vector<16xf32>
      %add3A_955 = arith.addf %get3A_938, %get3A_941 : vector<16xf32>
      %add3A_956 = arith.addf %get3A_944, %get3A_947 : vector<16xf32>
      %add3A_957 = arith.addf %get3A_950, %get3A_953 : vector<16xf32>
      %add3A_958 = arith.addf %add3A_954, %add3A_955 : vector<16xf32>
      %add3A_959 = arith.addf %add3A_956, %add3A_957 : vector<16xf32>
      %add3A_960 = arith.addf %add3A_958, %add3A_959 : vector<16xf32>
      %mul3A_961 = arith.mulf %get3A_932, %get3A_932 : vector<16xf32>
      %mul3A_962 = arith.mulf %get3A_935, %get3A_935 : vector<16xf32>
      %mul3A_963 = arith.mulf %get3A_938, %get3A_938 : vector<16xf32>
      %mul3A_964 = arith.mulf %get3A_941, %get3A_941 : vector<16xf32>
      %mul3A_965 = arith.mulf %get3A_944, %get3A_944 : vector<16xf32>
      %mul3A_966 = arith.mulf %get3A_947, %get3A_947 : vector<16xf32>
      %mul3A_967 = arith.mulf %get3A_950, %get3A_950 : vector<16xf32>
      %mul3A_968 = arith.mulf %get3A_953, %get3A_953 : vector<16xf32>
      %add3A_969 = arith.addf %mul3A_961, %mul3A_962 : vector<16xf32>
      %add3A_970 = arith.addf %mul3A_963, %mul3A_964 : vector<16xf32>
      %add3A_971 = arith.addf %mul3A_965, %mul3A_966 : vector<16xf32>
      %add3A_972 = arith.addf %mul3A_967, %mul3A_968 : vector<16xf32>
      %add3A_973 = arith.addf %add3A_969, %add3A_970 : vector<16xf32>
      %add3A_974 = arith.addf %add3A_971, %add3A_972 : vector<16xf32>
      %add3A_975 = arith.addf %add3A_973, %add3A_974 : vector<16xf32>
      %mul3A_976 = arith.constant 16 : i32
      %mul3A_977 = arith.muli %scan3A_260, %mul3A_976 : i32
      %add3A_978 = arith.constant 14 : i32
      %add3A_979 = arith.addi %mul3A_977, %add3A_978 : i32
      %get3A_980 = arith.index_cast %add3A_979 : i32 to index
      %get3A_981 = arith.constant 0 : index
      %get3A_982 = tpu.vector_load %arg5[%get3A_980, %get3A_981] {strides = array<i32>} : memref<384x128xf32, #tpu.memory_space<vmem>>, vector<16xf32>,
      %get3A_983 = arith.index_cast %add3A_979 : i32 to index
      %get3A_984 = arith.constant 16 : index
      %get3A_985 = tpu.vector_load %arg5[%get3A_983, %get3A_984] {strides = array<i32>} : memref<384x128xf32, #tpu.memory_space<vmem>>, vector<16xf32>,
      %get3A_986 = arith.index_cast %add3A_979 : i32 to index
      %get3A_987 = arith.constant 32 : index
      %get3A_988 = tpu.vector_load %arg5[%get3A_986, %get3A_987] {strides = array<i32>} : memref<384x128xf32, #tpu.memory_space<vmem>>, vector<16xf32>,
      %get3A_989 = arith.index_cast %add3A_979 : i32 to index
      %get3A_990 = arith.constant 48 : index
      %get3A_991 = tpu.vector_load %arg5[%get3A_989, %get3A_990] {strides = array<i32>} : memref<384x128xf32, #tpu.memory_space<vmem>>, vector<16xf32>,
      %get3A_992 = arith.index_cast %add3A_979 : i32 to index
      %get3A_993 = arith.constant 64 : index
      %get3A_994 = tpu.vector_load %arg5[%get3A_992, %get3A_993] {strides = array<i32>} : memref<384x128xf32, #tpu.memory_space<vmem>>, vector<16xf32>,
      %get3A_995 = arith.index_cast %add3A_979 : i32 to index
      %get3A_996 = arith.constant 80 : index
      %get3A_997 = tpu.vector_load %arg5[%get3A_995, %get3A_996] {strides = array<i32>} : memref<384x128xf32, #tpu.memory_space<vmem>>, vector<16xf32>,
      %get3A_998 = arith.index_cast %add3A_979 : i32 to index
      %get3A_999 = arith.constant 96 : index
      %get3A_1000 = tpu.vector_load %arg5[%get3A_998, %get3A_999] {strides = array<i32>} : memref<384x128xf32, #tpu.memory_space<vmem>>, vector<16xf32>,
      %get3A_1001 = arith.index_cast %add3A_979 : i32 to index
      %get3A_1002 = arith.constant 112 : index
      %get3A_1003 = tpu.vector_load %arg5[%get3A_1001, %get3A_1002] {strides = array<i32>} : memref<384x128xf32, #tpu.memory_space<vmem>>, vector<16xf32>,
      %add3A_1004 = arith.addf %get3A_982, %get3A_985 : vector<16xf32>
      %add3A_1005 = arith.addf %get3A_988, %get3A_991 : vector<16xf32>
      %add3A_1006 = arith.addf %get3A_994, %get3A_997 : vector<16xf32>
      %add3A_1007 = arith.addf %get3A_1000, %get3A_1003 : vector<16xf32>
      %add3A_1008 = arith.addf %add3A_1004, %add3A_1005 : vector<16xf32>
      %add3A_1009 = arith.addf %add3A_1006, %add3A_1007 : vector<16xf32>
      %add3A_1010 = arith.addf %add3A_1008, %add3A_1009 : vector<16xf32>
      %mul3A_1011 = arith.mulf %get3A_982, %get3A_982 : vector<16xf32>
      %mul3A_1012 = arith.mulf %get3A_985, %get3A_985 : vector<16xf32>
      %mul3A_1013 = arith.mulf %get3A_988, %get3A_988 : vector<16xf32>
      %mul3A_1014 = arith.mulf %get3A_991, %get3A_991 : vector<16xf32>
      %mul3A_1015 = arith.mulf %get3A_994, %get3A_994 : vector<16xf32>
      %mul3A_1016 = arith.mulf %get3A_997, %get3A_997 : vector<16xf32>
      %mul3A_1017 = arith.mulf %get3A_1000, %get3A_1000 : vector<16xf32>
      %mul3A_1018 = arith.mulf %get3A_1003, %get3A_1003 : vector<16xf32>
      %add3A_1019 = arith.addf %mul3A_1011, %mul3A_1012 : vector<16xf32>
      %add3A_1020 = arith.addf %mul3A_1013, %mul3A_1014 : vector<16xf32>
      %add3A_1021 = arith.addf %mul3A_1015, %mul3A_1016 : vector<16xf32>
      %add3A_1022 = arith.addf %mul3A_1017, %mul3A_1018 : vector<16xf32>
      %add3A_1023 = arith.addf %add3A_1019, %add3A_1020 : vector<16xf32>
      %add3A_1024 = arith.addf %add3A_1021, %add3A_1022 : vector<16xf32>
      %add3A_1025 = arith.addf %add3A_1023, %add3A_1024 : vector<16xf32>
      %mul3A_1026 = arith.constant 16 : i32
      %mul3A_1027 = arith.muli %scan3A_260, %mul3A_1026 : i32
      %add3A_1028 = arith.constant 15 : i32
      %add3A_1029 = arith.addi %mul3A_1027, %add3A_1028 : i32
      %get3A_1030 = arith.index_cast %add3A_1029 : i32 to index
      %get3A_1031 = arith.constant 0 : index
      %get3A_1032 = tpu.vector_load %arg5[%get3A_1030, %get3A_1031] {strides = array<i32>} : memref<384x128xf32, #tpu.memory_space<vmem>>, vector<16xf32>,
      %get3A_1033 = arith.index_cast %add3A_1029 : i32 to index
      %get3A_1034 = arith.constant 16 : index
      %get3A_1035 = tpu.vector_load %arg5[%get3A_1033, %get3A_1034] {strides = array<i32>} : memref<384x128xf32, #tpu.memory_space<vmem>>, vector<16xf32>,
      %get3A_1036 = arith.index_cast %add3A_1029 : i32 to index
      %get3A_1037 = arith.constant 32 : index
      %get3A_1038 = tpu.vector_load %arg5[%get3A_1036, %get3A_1037] {strides = array<i32>} : memref<384x128xf32, #tpu.memory_space<vmem>>, vector<16xf32>,
      %get3A_1039 = arith.index_cast %add3A_1029 : i32 to index
      %get3A_1040 = arith.constant 48 : index
      %get3A_1041 = tpu.vector_load %arg5[%get3A_1039, %get3A_1040] {strides = array<i32>} : memref<384x128xf32, #tpu.memory_space<vmem>>, vector<16xf32>,
      %get3A_1042 = arith.index_cast %add3A_1029 : i32 to index
      %get3A_1043 = arith.constant 64 : index
      %get3A_1044 = tpu.vector_load %arg5[%get3A_1042, %get3A_1043] {strides = array<i32>} : memref<384x128xf32, #tpu.memory_space<vmem>>, vector<16xf32>,
      %get3A_1045 = arith.index_cast %add3A_1029 : i32 to index
      %get3A_1046 = arith.constant 80 : index
      %get3A_1047 = tpu.vector_load %arg5[%get3A_1045, %get3A_1046] {strides = array<i32>} : memref<384x128xf32, #tpu.memory_space<vmem>>, vector<16xf32>,
      %get3A_1048 = arith.index_cast %add3A_1029 : i32 to index
      %get3A_1049 = arith.constant 96 : index
      %get3A_1050 = tpu.vector_load %arg5[%get3A_1048, %get3A_1049] {strides = array<i32>} : memref<384x128xf32, #tpu.memory_space<vmem>>, vector<16xf32>,
      %get3A_1051 = arith.index_cast %add3A_1029 : i32 to index
      %get3A_1052 = arith.constant 112 : index
      %get3A_1053 = tpu.vector_load %arg5[%get3A_1051, %get3A_1052] {strides = array<i32>} : memref<384x128xf32, #tpu.memory_space<vmem>>, vector<16xf32>,
      %add3A_1054 = arith.addf %get3A_1032, %get3A_1035 : vector<16xf32>
      %add3A_1055 = arith.addf %get3A_1038, %get3A_1041 : vector<16xf32>
      %add3A_1056 = arith.addf %get3A_1044, %get3A_1047 : vector<16xf32>
      %add3A_1057 = arith.addf %get3A_1050, %get3A_1053 : vector<16xf32>
      %add3A_1058 = arith.addf %add3A_1054, %add3A_1055 : vector<16xf32>
      %add3A_1059 = arith.addf %add3A_1056, %add3A_1057 : vector<16xf32>
      %add3A_1060 = arith.addf %add3A_1058, %add3A_1059 : vector<16xf32>
      %mul3A_1061 = arith.mulf %get3A_1032, %get3A_1032 : vector<16xf32>
      %mul3A_1062 = arith.mulf %get3A_1035, %get3A_1035 : vector<16xf32>
      %mul3A_1063 = arith.mulf %get3A_1038, %get3A_1038 : vector<16xf32>
      %mul3A_1064 = arith.mulf %get3A_1041, %get3A_1041 : vector<16xf32>
      %mul3A_1065 = arith.mulf %get3A_1044, %get3A_1044 : vector<16xf32>
      %mul3A_1066 = arith.mulf %get3A_1047, %get3A_1047 : vector<16xf32>
      %mul3A_1067 = arith.mulf %get3A_1050, %get3A_1050 : vector<16xf32>
      %mul3A_1068 = arith.mulf %get3A_1053, %get3A_1053 : vector<16xf32>
      %add3A_1069 = arith.addf %mul3A_1061, %mul3A_1062 : vector<16xf32>
      %add3A_1070 = arith.addf %mul3A_1063, %mul3A_1064 : vector<16xf32>
      %add3A_1071 = arith.addf %mul3A_1065, %mul3A_1066 : vector<16xf32>
      %add3A_1072 = arith.addf %mul3A_1067, %mul3A_1068 : vector<16xf32>
      %add3A_1073 = arith.addf %add3A_1069, %add3A_1070 : vector<16xf32>
      %add3A_1074 = arith.addf %add3A_1071, %add3A_1072 : vector<16xf32>
      %add3A_1075 = arith.addf %add3A_1073, %add3A_1074 : vector<16xf32>
      %mul3A_1076 = arith.constant 16 : i32
      %mul3A_1077 = vector.broadcast %mul3A_1076 : i32 to vector<16xi32>
      %mul3A_1078 = arith.muli %get3A_275, %mul3A_1077 : vector<16xi32>
      %add3A_1079 = arith.addi %mul3A_1078, %iota3A : vector<16xi32>
      tpu.vector_store_idx %arg9[%add3A_1079], %broadcast_in_dim3A_246 {add = true} : memref<512xf32, #tpu.memory_space<vmem>>[vector<16xi32>], vector<16xf32>,
      %slice3A = vector.extract_strided_slice %get3A_275 {offsets = [0], sizes = [1], strides = [1]} : vector<16xi32> to vector<1xi32>
      %squeeze3A = vector.extract %slice3A[0] : i32 from vector<1xi32>
      %mul3A_1080 = arith.constant 16 : i32
      %mul3A_1081 = arith.muli %squeeze3A, %mul3A_1080 : i32
      %add3A_1082 = vector.broadcast %mul3A_1081 : i32 to vector<16xi32>
      %add3A_1083 = arith.addi %add3A_1082, %iota3A : vector<16xi32>
      tpu.vector_store_idx %arg7[%add3A_1083], %add3A_310 {add = true} : memref<512xf32, #tpu.memory_space<vmem>>[vector<16xi32>], vector<16xf32>,
      tpu.vector_store_idx %arg8[%add3A_1083], %add3A_325 {add = true} : memref<512xf32, #tpu.memory_space<vmem>>[vector<16xi32>], vector<16xf32>,
      %slice3A_1084 = vector.extract_strided_slice %get3A_275 {offsets = [1], sizes = [1], strides = [1]} : vector<16xi32> to vector<1xi32>
      %squeeze3A_1085 = vector.extract %slice3A_1084[0] : i32 from vector<1xi32>
      %mul3A_1086 = arith.constant 16 : i32
      %mul3A_1087 = arith.muli %squeeze3A_1085, %mul3A_1086 : i32
      %add3A_1088 = vector.broadcast %mul3A_1087 : i32 to vector<16xi32>
      %add3A_1089 = arith.addi %add3A_1088, %iota3A : vector<16xi32>
      tpu.vector_store_idx %arg7[%add3A_1089], %add3A_360 {add = true} : memref<512xf32, #tpu.memory_space<vmem>>[vector<16xi32>], vector<16xf32>,
      tpu.vector_store_idx %arg8[%add3A_1089], %add3A_375 {add = true} : memref<512xf32, #tpu.memory_space<vmem>>[vector<16xi32>], vector<16xf32>,
      %slice3A_1090 = vector.extract_strided_slice %get3A_275 {offsets = [2], sizes = [1], strides = [1]} : vector<16xi32> to vector<1xi32>
      %squeeze3A_1091 = vector.extract %slice3A_1090[0] : i32 from vector<1xi32>
      %mul3A_1092 = arith.constant 16 : i32
      %mul3A_1093 = arith.muli %squeeze3A_1091, %mul3A_1092 : i32
      %add3A_1094 = vector.broadcast %mul3A_1093 : i32 to vector<16xi32>
      %add3A_1095 = arith.addi %add3A_1094, %iota3A : vector<16xi32>
      tpu.vector_store_idx %arg7[%add3A_1095], %add3A_410 {add = true} : memref<512xf32, #tpu.memory_space<vmem>>[vector<16xi32>], vector<16xf32>,
      tpu.vector_store_idx %arg8[%add3A_1095], %add3A_425 {add = true} : memref<512xf32, #tpu.memory_space<vmem>>[vector<16xi32>], vector<16xf32>,
      %slice3A_1096 = vector.extract_strided_slice %get3A_275 {offsets = [3], sizes = [1], strides = [1]} : vector<16xi32> to vector<1xi32>
      %squeeze3A_1097 = vector.extract %slice3A_1096[0] : i32 from vector<1xi32>
      %mul3A_1098 = arith.constant 16 : i32
      %mul3A_1099 = arith.muli %squeeze3A_1097, %mul3A_1098 : i32
      %add3A_1100 = vector.broadcast %mul3A_1099 : i32 to vector<16xi32>
      %add3A_1101 = arith.addi %add3A_1100, %iota3A : vector<16xi32>
      tpu.vector_store_idx %arg7[%add3A_1101], %add3A_460 {add = true} : memref<512xf32, #tpu.memory_space<vmem>>[vector<16xi32>], vector<16xf32>,
      tpu.vector_store_idx %arg8[%add3A_1101], %add3A_475 {add = true} : memref<512xf32, #tpu.memory_space<vmem>>[vector<16xi32>], vector<16xf32>,
      %slice3A_1102 = vector.extract_strided_slice %get3A_275 {offsets = [4], sizes = [1], strides = [1]} : vector<16xi32> to vector<1xi32>
      %squeeze3A_1103 = vector.extract %slice3A_1102[0] : i32 from vector<1xi32>
      %mul3A_1104 = arith.constant 16 : i32
      %mul3A_1105 = arith.muli %squeeze3A_1103, %mul3A_1104 : i32
      %add3A_1106 = vector.broadcast %mul3A_1105 : i32 to vector<16xi32>
      %add3A_1107 = arith.addi %add3A_1106, %iota3A : vector<16xi32>
      tpu.vector_store_idx %arg7[%add3A_1107], %add3A_510 {add = true} : memref<512xf32, #tpu.memory_space<vmem>>[vector<16xi32>], vector<16xf32>,
      tpu.vector_store_idx %arg8[%add3A_1107], %add3A_525 {add = true} : memref<512xf32, #tpu.memory_space<vmem>>[vector<16xi32>], vector<16xf32>,
      %slice3A_1108 = vector.extract_strided_slice %get3A_275 {offsets = [5], sizes = [1], strides = [1]} : vector<16xi32> to vector<1xi32>
      %squeeze3A_1109 = vector.extract %slice3A_1108[0] : i32 from vector<1xi32>
      %mul3A_1110 = arith.constant 16 : i32
      %mul3A_1111 = arith.muli %squeeze3A_1109, %mul3A_1110 : i32
      %add3A_1112 = vector.broadcast %mul3A_1111 : i32 to vector<16xi32>
      %add3A_1113 = arith.addi %add3A_1112, %iota3A : vector<16xi32>
      tpu.vector_store_idx %arg7[%add3A_1113], %add3A_560 {add = true} : memref<512xf32, #tpu.memory_space<vmem>>[vector<16xi32>], vector<16xf32>,
      tpu.vector_store_idx %arg8[%add3A_1113], %add3A_575 {add = true} : memref<512xf32, #tpu.memory_space<vmem>>[vector<16xi32>], vector<16xf32>,
      %slice3A_1114 = vector.extract_strided_slice %get3A_275 {offsets = [6], sizes = [1], strides = [1]} : vector<16xi32> to vector<1xi32>
      %squeeze3A_1115 = vector.extract %slice3A_1114[0] : i32 from vector<1xi32>
      %mul3A_1116 = arith.constant 16 : i32
      %mul3A_1117 = arith.muli %squeeze3A_1115, %mul3A_1116 : i32
      %add3A_1118 = vector.broadcast %mul3A_1117 : i32 to vector<16xi32>
      %add3A_1119 = arith.addi %add3A_1118, %iota3A : vector<16xi32>
      tpu.vector_store_idx %arg7[%add3A_1119], %add3A_610 {add = true} : memref<512xf32, #tpu.memory_space<vmem>>[vector<16xi32>], vector<16xf32>,
      tpu.vector_store_idx %arg8[%add3A_1119], %add3A_625 {add = true} : memref<512xf32, #tpu.memory_space<vmem>>[vector<16xi32>], vector<16xf32>,
      %slice3A_1120 = vector.extract_strided_slice %get3A_275 {offsets = [7], sizes = [1], strides = [1]} : vector<16xi32> to vector<1xi32>
      %squeeze3A_1121 = vector.extract %slice3A_1120[0] : i32 from vector<1xi32>
      %mul3A_1122 = arith.constant 16 : i32
      %mul3A_1123 = arith.muli %squeeze3A_1121, %mul3A_1122 : i32
      %add3A_1124 = vector.broadcast %mul3A_1123 : i32 to vector<16xi32>
      %add3A_1125 = arith.addi %add3A_1124, %iota3A : vector<16xi32>
      tpu.vector_store_idx %arg7[%add3A_1125], %add3A_660 {add = true} : memref<512xf32, #tpu.memory_space<vmem>>[vector<16xi32>], vector<16xf32>,
      tpu.vector_store_idx %arg8[%add3A_1125], %add3A_675 {add = true} : memref<512xf32, #tpu.memory_space<vmem>>[vector<16xi32>], vector<16xf32>,
      %slice3A_1126 = vector.extract_strided_slice %get3A_275 {offsets = [8], sizes = [1], strides = [1]} : vector<16xi32> to vector<1xi32>
      %squeeze3A_1127 = vector.extract %slice3A_1126[0] : i32 from vector<1xi32>
      %mul3A_1128 = arith.constant 16 : i32
      %mul3A_1129 = arith.muli %squeeze3A_1127, %mul3A_1128 : i32
      %add3A_1130 = vector.broadcast %mul3A_1129 : i32 to vector<16xi32>
      %add3A_1131 = arith.addi %add3A_1130, %iota3A : vector<16xi32>
      tpu.vector_store_idx %arg7[%add3A_1131], %add3A_710 {add = true} : memref<512xf32, #tpu.memory_space<vmem>>[vector<16xi32>], vector<16xf32>,
      tpu.vector_store_idx %arg8[%add3A_1131], %add3A_725 {add = true} : memref<512xf32, #tpu.memory_space<vmem>>[vector<16xi32>], vector<16xf32>,
      %slice3A_1132 = vector.extract_strided_slice %get3A_275 {offsets = [9], sizes = [1], strides = [1]} : vector<16xi32> to vector<1xi32>
      %squeeze3A_1133 = vector.extract %slice3A_1132[0] : i32 from vector<1xi32>
      %mul3A_1134 = arith.constant 16 : i32
      %mul3A_1135 = arith.muli %squeeze3A_1133, %mul3A_1134 : i32
      %add3A_1136 = vector.broadcast %mul3A_1135 : i32 to vector<16xi32>
      %add3A_1137 = arith.addi %add3A_1136, %iota3A : vector<16xi32>
      tpu.vector_store_idx %arg7[%add3A_1137], %add3A_760 {add = true} : memref<512xf32, #tpu.memory_space<vmem>>[vector<16xi32>], vector<16xf32>,
      tpu.vector_store_idx %arg8[%add3A_1137], %add3A_775 {add = true} : memref<512xf32, #tpu.memory_space<vmem>>[vector<16xi32>], vector<16xf32>,
      %slice3A_1138 = vector.extract_strided_slice %get3A_275 {offsets = [10], sizes = [1], strides = [1]} : vector<16xi32> to vector<1xi32>
      %squeeze3A_1139 = vector.extract %slice3A_1138[0] : i32 from vector<1xi32>
      %mul3A_1140 = arith.constant 16 : i32
      %mul3A_1141 = arith.muli %squeeze3A_1139, %mul3A_1140 : i32
      %add3A_1142 = vector.broadcast %mul3A_1141 : i32 to vector<16xi32>
      %add3A_1143 = arith.addi %add3A_1142, %iota3A : vector<16xi32>
      tpu.vector_store_idx %arg7[%add3A_1143], %add3A_810 {add = true} : memref<512xf32, #tpu.memory_space<vmem>>[vector<16xi32>], vector<16xf32>,
      tpu.vector_store_idx %arg8[%add3A_1143], %add3A_825 {add = true} : memref<512xf32, #tpu.memory_space<vmem>>[vector<16xi32>], vector<16xf32>,
      %slice3A_1144 = vector.extract_strided_slice %get3A_275 {offsets = [11], sizes = [1], strides = [1]} : vector<16xi32> to vector<1xi32>
      %squeeze3A_1145 = vector.extract %slice3A_1144[0] : i32 from vector<1xi32>
      %mul3A_1146 = arith.constant 16 : i32
      %mul3A_1147 = arith.muli %squeeze3A_1145, %mul3A_1146 : i32
      %add3A_1148 = vector.broadcast %mul3A_1147 : i32 to vector<16xi32>
      %add3A_1149 = arith.addi %add3A_1148, %iota3A : vector<16xi32>
      tpu.vector_store_idx %arg7[%add3A_1149], %add3A_860 {add = true} : memref<512xf32, #tpu.memory_space<vmem>>[vector<16xi32>], vector<16xf32>,
      tpu.vector_store_idx %arg8[%add3A_1149], %add3A_875 {add = true} : memref<512xf32, #tpu.memory_space<vmem>>[vector<16xi32>], vector<16xf32>,
      %slice3A_1150 = vector.extract_strided_slice %get3A_275 {offsets = [12], sizes = [1], strides = [1]} : vector<16xi32> to vector<1xi32>
      %squeeze3A_1151 = vector.extract %slice3A_1150[0] : i32 from vector<1xi32>
      %mul3A_1152 = arith.constant 16 : i32
      %mul3A_1153 = arith.muli %squeeze3A_1151, %mul3A_1152 : i32
      %add3A_1154 = vector.broadcast %mul3A_1153 : i32 to vector<16xi32>
      %add3A_1155 = arith.addi %add3A_1154, %iota3A : vector<16xi32>
      tpu.vector_store_idx %arg7[%add3A_1155], %add3A_910 {add = true} : memref<512xf32, #tpu.memory_space<vmem>>[vector<16xi32>], vector<16xf32>,
      tpu.vector_store_idx %arg8[%add3A_1155], %add3A_925 {add = true} : memref<512xf32, #tpu.memory_space<vmem>>[vector<16xi32>], vector<16xf32>,
      %slice3A_1156 = vector.extract_strided_slice %get3A_275 {offsets = [13], sizes = [1], strides = [1]} : vector<16xi32> to vector<1xi32>
      %squeeze3A_1157 = vector.extract %slice3A_1156[0] : i32 from vector<1xi32>
      %mul3A_1158 = arith.constant 16 : i32
      %mul3A_1159 = arith.muli %squeeze3A_1157, %mul3A_1158 : i32
      %add3A_1160 = vector.broadcast %mul3A_1159 : i32 to vector<16xi32>
      %add3A_1161 = arith.addi %add3A_1160, %iota3A : vector<16xi32>
      tpu.vector_store_idx %arg7[%add3A_1161], %add3A_960 {add = true} : memref<512xf32, #tpu.memory_space<vmem>>[vector<16xi32>], vector<16xf32>,
      tpu.vector_store_idx %arg8[%add3A_1161], %add3A_975 {add = true} : memref<512xf32, #tpu.memory_space<vmem>>[vector<16xi32>], vector<16xf32>,
      %slice3A_1162 = vector.extract_strided_slice %get3A_275 {offsets = [14], sizes = [1], strides = [1]} : vector<16xi32> to vector<1xi32>
      %squeeze3A_1163 = vector.extract %slice3A_1162[0] : i32 from vector<1xi32>
      %mul3A_1164 = arith.constant 16 : i32
      %mul3A_1165 = arith.muli %squeeze3A_1163, %mul3A_1164 : i32
      %add3A_1166 = vector.broadcast %mul3A_1165 : i32 to vector<16xi32>
      %add3A_1167 = arith.addi %add3A_1166, %iota3A : vector<16xi32>
      tpu.vector_store_idx %arg7[%add3A_1167], %add3A_1010 {add = true} : memref<512xf32, #tpu.memory_space<vmem>>[vector<16xi32>], vector<16xf32>,
      tpu.vector_store_idx %arg8[%add3A_1167], %add3A_1025 {add = true} : memref<512xf32, #tpu.memory_space<vmem>>[vector<16xi32>], vector<16xf32>,
      %slice3A_1168 = vector.extract_strided_slice %get3A_275 {offsets = [15], sizes = [1], strides = [1]} : vector<16xi32> to vector<1xi32>
      %squeeze3A_1169 = vector.extract %slice3A_1168[0] : i32 from vector<1xi32>
      %mul3A_1170 = arith.constant 16 : i32
      %mul3A_1171 = arith.muli %squeeze3A_1169, %mul3A_1170 : i32
      %add3A_1172 = vector.broadcast %mul3A_1171 : i32 to vector<16xi32>
      %add3A_1173 = arith.addi %add3A_1172, %iota3A : vector<16xi32>
      tpu.vector_store_idx %arg7[%add3A_1173], %add3A_1060 {add = true} : memref<512xf32, #tpu.memory_space<vmem>>[vector<16xi32>], vector<16xf32>,
      tpu.vector_store_idx %arg8[%add3A_1173], %add3A_1075 {add = true} : memref<512xf32, #tpu.memory_space<vmem>>[vector<16xi32>], vector<16xf32>,
    }
    %scan3A_251 = arith.constant 24 : i32
    %mul3A_252 = arith.constant 3 : i32
    %mul3A_253 = arith.muli %add3A, %mul3A_252 : i32
    %mul3A_254 = arith.constant 512 : i32
    %mul3A_255 = arith.muli %mul3A_253, %mul3A_254 : i32
    "tpu.region"() ({
      %run_scoped3A = tpu.sem_alloc : memref<!tpu.dma_semaphore, #tpu.memory_space<semaphore_mem>>
      %dma_start3A_260 = tpu.memref_slice %arg4[%mul3A_255] : memref<49152xf32, #tpu.memory_space<hbm>> -> memref<512xf32, #tpu.memory_space<hbm>>
      %dma_start3A_261 = tpu.memref_slice %arg4[%mul3A_255] : memref<49152xf32, #tpu.memory_space<hbm>> -> memref<512xf32, #tpu.memory_space<hbm>>
      tpu.enqueue_dma source(%arg7 : memref<512xf32, #tpu.memory_space<vmem>>) target(%dma_start3A_261 : memref<512xf32, #tpu.memory_space<hbm>>) target_semaphore(%run_scoped3A : memref<!tpu.dma_semaphore, #tpu.memory_space<semaphore_mem>>)
      %dma_wait3A_262 = tpu.memref_slice %arg4[%mul3A_255] : memref<49152xf32, #tpu.memory_space<hbm>> -> memref<512xf32, #tpu.memory_space<hbm>>
      %dma_wait3A_263 = tpu.memref_slice %arg4[%mul3A_255] : memref<49152xf32, #tpu.memory_space<hbm>> -> memref<512xf32, #tpu.memory_space<hbm>>
      tpu.wait_dma2 semaphore(%run_scoped3A : memref<!tpu.dma_semaphore, #tpu.memory_space<semaphore_mem>>) src(%arg7 : memref<512xf32, #tpu.memory_space<vmem>>) dst(%dma_wait3A_263 : memref<512xf32, #tpu.memory_space<hbm>>)
      tpu.yield
    }) : () -> ()
    %add3A_256 = arith.constant 512 : i32
    %add3A_257 = arith.addi %mul3A_255, %add3A_256 : i32
    "tpu.region"() ({
      %run_scoped3A = tpu.sem_alloc : memref<!tpu.dma_semaphore, #tpu.memory_space<semaphore_mem>>
      %dma_start3A_260 = tpu.memref_slice %arg4[%add3A_257] : memref<49152xf32, #tpu.memory_space<hbm>> -> memref<512xf32, #tpu.memory_space<hbm>>
      %dma_start3A_261 = tpu.memref_slice %arg4[%add3A_257] : memref<49152xf32, #tpu.memory_space<hbm>> -> memref<512xf32, #tpu.memory_space<hbm>>
      tpu.enqueue_dma source(%arg8 : memref<512xf32, #tpu.memory_space<vmem>>) target(%dma_start3A_261 : memref<512xf32, #tpu.memory_space<hbm>>) target_semaphore(%run_scoped3A : memref<!tpu.dma_semaphore, #tpu.memory_space<semaphore_mem>>)
      %dma_wait3A_262 = tpu.memref_slice %arg4[%add3A_257] : memref<49152xf32, #tpu.memory_space<hbm>> -> memref<512xf32, #tpu.memory_space<hbm>>
      %dma_wait3A_263 = tpu.memref_slice %arg4[%add3A_257] : memref<49152xf32, #tpu.memory_space<hbm>> -> memref<512xf32, #tpu.memory_space<hbm>>
      tpu.wait_dma2 semaphore(%run_scoped3A : memref<!tpu.dma_semaphore, #tpu.memory_space<semaphore_mem>>) src(%arg8 : memref<512xf32, #tpu.memory_space<vmem>>) dst(%dma_wait3A_263 : memref<512xf32, #tpu.memory_space<hbm>>)
      tpu.yield
    }) : () -> ()
    %add3A_258 = arith.constant 1024 : i32
    %add3A_259 = arith.addi %mul3A_255, %add3A_258 : i32
    "tpu.region"() ({
      %run_scoped3A = tpu.sem_alloc : memref<!tpu.dma_semaphore, #tpu.memory_space<semaphore_mem>>
      %dma_start3A_260 = tpu.memref_slice %arg4[%add3A_259] : memref<49152xf32, #tpu.memory_space<hbm>> -> memref<512xf32, #tpu.memory_space<hbm>>
      %dma_start3A_261 = tpu.memref_slice %arg4[%add3A_259] : memref<49152xf32, #tpu.memory_space<hbm>> -> memref<512xf32, #tpu.memory_space<hbm>>
      tpu.enqueue_dma source(%arg9 : memref<512xf32, #tpu.memory_space<vmem>>) target(%dma_start3A_261 : memref<512xf32, #tpu.memory_space<hbm>>) target_semaphore(%run_scoped3A : memref<!tpu.dma_semaphore, #tpu.memory_space<semaphore_mem>>)
      %dma_wait3A_262 = tpu.memref_slice %arg4[%add3A_259] : memref<49152xf32, #tpu.memory_space<hbm>> -> memref<512xf32, #tpu.memory_space<hbm>>
      %dma_wait3A_263 = tpu.memref_slice %arg4[%add3A_259] : memref<49152xf32, #tpu.memory_space<hbm>> -> memref<512xf32, #tpu.memory_space<hbm>>
      tpu.wait_dma2 semaphore(%run_scoped3A : memref<!tpu.dma_semaphore, #tpu.memory_space<semaphore_mem>>) src(%arg9 : memref<512xf32, #tpu.memory_space<vmem>>) dst(%dma_wait3A_263 : memref<512xf32, #tpu.memory_space<hbm>>)
      tpu.yield
    }) : () -> ()
    return
  }
}

module attributes {stable_mosaic.version = 14 : i64} {
  func.func @tc_body(%arg0: i32, %arg1: memref<384x128xf32, #tpu.memory_space<vmem>>, %arg2: memref<4096x128xf32, #tpu.memory_space<vmem>>, %arg3: memref<32x128xi32, #tpu.memory_space<vmem>>, %arg4: memref<1x1xf32, #tpu.memory_space<vmem>>) attributes {dimension_semantics = [#tpu.dimension_semantics<arbitrary>], iteration_bounds = array<i64: 1>, scalar_prefetch = 0 : i64, scratch_operands = 0 : i64, tpu.core_type = #tpu.core_type<tc>, window_params = [{pipeline_mode = #tpu.pipeline_mode<synchronous>, transform_indices = @transform_0, window_bounds = array<i64: 384, 128>}, {transform_indices = @transform_1, window_bounds = array<i64: 4096, 128>}, {transform_indices = @transform_2, window_bounds = array<i64: 32, 128>}, {pipeline_mode = #tpu.pipeline_mode<synchronous>, transform_indices = @transform_3, window_bounds = array<i64: 1, 1>}]} {
    %get3A = arith.constant 0 : index
    %get3A_0 = arith.constant 0 : index
    %get3A_1 = vector.load %arg2[%get3A, %get3A_0] : memref<4096x128xf32, #tpu.memory_space<vmem>>, vector<4096x128xf32>
    %get3A_2 = arith.constant 0 : index
    %get3A_3 = arith.constant 0 : index
    %get3A_4 = vector.load %arg3[%get3A_2, %get3A_3] : memref<32x128xi32, #tpu.memory_space<vmem>>, vector<32x128xi32>
    %reshape3A = vector.shape_cast %get3A_4 : vector<32x128xi32> to vector<1x4096xi32>
    %iota3A = tpu.iota {dimensions = array<i32: 0>} : vector<32x4096xi32>
    %eq3A = vector.broadcast %reshape3A : vector<1x4096xi32> to vector<32x4096xi32>
    %eq3A_5 = arith.cmpi eq, %eq3A, %iota3A : vector<32x4096xi32>
    %convert_element_type3A = arith.extui %eq3A_5 : vector<32x4096xi1> to vector<32x4096xi32>
    %convert_element_type3A_6 = arith.sitofp %convert_element_type3A : vector<32x4096xi32> to vector<32x4096xf32>
    %dot_general3A = arith.constant dense<0.000000e+00> : vector<32x128xf32>
    %dot_general3A_7 = tpu.matmul %convert_element_type3A_6, %get3A_1, %dot_general3A {dimension_numbers = #tpu.dot_dimension_numbers<[1], [0], [0], [1], [0, 0, 1, 1], [], []>, transpose_lhs_hint = false} : vector<32x4096xf32>, vector<4096x128xf32>, vector<32x128xf32> -> vector<32x128xf32>
    %reduce_sum3A = arith.constant dense<0.000000e+00> : vector<32xf32>
    %reduce_sum3A_8 = vector.multi_reduction <add>, %dot_general3A_7, %reduce_sum3A [1] : vector<32x128xf32> to vector<32xf32>
    %reshape3A_9 = vector.shape_cast %reduce_sum3A_8 : vector<32xf32> to vector<4x8xf32>
    %mul3A = arith.mulf %get3A_1, %get3A_1 : vector<4096x128xf32>
    %dot_general3A_10 = arith.constant dense<0.000000e+00> : vector<32x128xf32>
    %dot_general3A_11 = tpu.matmul %convert_element_type3A_6, %mul3A, %dot_general3A_10 {dimension_numbers = #tpu.dot_dimension_numbers<[1], [0], [0], [1], [0, 0, 1, 1], [], []>, transpose_lhs_hint = false} : vector<32x4096xf32>, vector<4096x128xf32>, vector<32x128xf32> -> vector<32x128xf32>
    %reduce_sum3A_12 = arith.constant dense<0.000000e+00> : vector<32xf32>
    %reduce_sum3A_13 = vector.multi_reduction <add>, %dot_general3A_11, %reduce_sum3A_12 [1] : vector<32x128xf32> to vector<32xf32>
    %reshape3A_14 = vector.shape_cast %reduce_sum3A_13 : vector<32xf32> to vector<4x8xf32>
    %reduce_sum3A_15 = arith.constant dense<0.000000e+00> : vector<32xf32>
    %reduce_sum3A_16 = vector.multi_reduction <add>, %convert_element_type3A_6, %reduce_sum3A_15 [1] : vector<32x4096xf32> to vector<32xf32>
    %reshape3A_17 = vector.shape_cast %reduce_sum3A_16 : vector<32xf32> to vector<4x8xf32>
    %get3A_18 = arith.constant 0 : index
    %get3A_19 = arith.constant 0 : index
    %get3A_20 = vector.load %arg1[%get3A_18, %get3A_19] : memref<384x128xf32, #tpu.memory_space<vmem>>, vector<384x128xf32>
    %reshape3A_21 = vector.shape_cast %get3A_20 : vector<384x128xf32> to vector<32x12x128xf32>
    %reduce_sum3A_22 = arith.constant dense<0.000000e+00> : vector<12x128xf32>
    %reduce_sum3A_23 = vector.multi_reduction <add>, %reshape3A_21, %reduce_sum3A_22 [0] : vector<32x12x128xf32> to vector<12x128xf32>
    %iota3A_24 = tpu.iota {dimensions = array<i32: 0>} : vector<128x8xi32>
    %iota3A_25 = tpu.iota {dimensions = array<i32: 1>} : vector<128x8xi32>
    %jit3A = arith.constant 16 : i32
    %div3A = vector.broadcast %jit3A : i32 to vector<128x8xi32>
    %div3A_26 = arith.divsi %iota3A_24, %div3A : vector<128x8xi32>
    %sign3A = arith.constant 0 : i32
    %sign3A_27 = vector.broadcast %sign3A : i32 to vector<128x8xi32>
    %sign3A_28 = arith.cmpi sgt, %iota3A_24, %sign3A_27 : vector<128x8xi32>
    %sign3A_29 = arith.extui %sign3A_28 : vector<128x8xi1> to vector<128x8xi32>
    %sign3A_30 = arith.constant 0 : i32
    %sign3A_31 = vector.broadcast %sign3A_30 : i32 to vector<128x8xi32>
    %sign3A_32 = arith.cmpi slt, %iota3A_24, %sign3A_31 : vector<128x8xi32>
    %sign3A_33 = arith.extui %sign3A_32 : vector<128x8xi1> to vector<128x8xi32>
    %sign3A_34 = arith.subi %sign3A_29, %sign3A_33 : vector<128x8xi32>
    %sign3A_35 = arith.constant 0 : i32
    %sign3A_36 = arith.cmpi sgt, %jit3A, %sign3A_35 : i32
    %sign3A_37 = arith.extui %sign3A_36 : i1 to i32
    %sign3A_38 = arith.constant 0 : i32
    %sign3A_39 = arith.cmpi slt, %jit3A, %sign3A_38 : i32
    %sign3A_40 = arith.extui %sign3A_39 : i1 to i32
    %sign3A_41 = arith.subi %sign3A_37, %sign3A_40 : i32
    %ne3A = vector.broadcast %sign3A_41 : i32 to vector<128x8xi32>
    %ne3A_42 = arith.cmpi ne, %sign3A_34, %ne3A : vector<128x8xi32>
    %rem3A = vector.broadcast %jit3A : i32 to vector<128x8xi32>
    %rem3A_43 = arith.remsi %iota3A_24, %rem3A : vector<128x8xi32>
    %ne3A_44 = arith.constant 0 : i32
    %ne3A_45 = vector.broadcast %ne3A_44 : i32 to vector<128x8xi32>
    %ne3A_46 = arith.cmpi ne, %rem3A_43, %ne3A_45 : vector<128x8xi32>
    %and3A = arith.andi %ne3A_42, %ne3A_46 : vector<128x8xi1>
    %sub3A = arith.constant 1 : i32
    %sub3A_47 = vector.broadcast %sub3A : i32 to vector<128x8xi32>
    %sub3A_48 = arith.subi %div3A_26, %sub3A_47 : vector<128x8xi32>
    %select_n3A = arith.select %and3A, %sub3A_48, %div3A_26 : vector<128x8xi1>, vector<128x8xi32>
    %eq3A_49 = arith.cmpi eq, %select_n3A, %iota3A_25 : vector<128x8xi32>
    %convert_element_type3A_50 = arith.extui %eq3A_49 : vector<128x8xi1> to vector<128x8xi32>
    %convert_element_type3A_51 = arith.sitofp %convert_element_type3A_50 : vector<128x8xi32> to vector<128x8xf32>
    %dot_general3A_52 = arith.constant dense<0.000000e+00> : vector<12x8xf32>
    %dot_general3A_53 = tpu.matmul %reduce_sum3A_23, %convert_element_type3A_51, %dot_general3A_52 {dimension_numbers = #tpu.dot_dimension_numbers<[1], [0], [0], [1], [0, 0, 1, 1], [], []>, transpose_lhs_hint = false} : vector<12x128xf32>, vector<128x8xf32>, vector<12x8xf32> -> vector<12x8xf32>
    %slice3A = vector.extract_strided_slice %dot_general3A_53 {offsets = [0, 0], sizes = [4, 8], strides = [1, 1]} : vector<12x8xf32> to vector<4x8xf32>
    %add3A = arith.addf %slice3A, %reshape3A_9 : vector<4x8xf32>
    %slice3A_54 = vector.extract_strided_slice %dot_general3A_53 {offsets = [4, 0], sizes = [4, 8], strides = [1, 1]} : vector<12x8xf32> to vector<4x8xf32>
    %add3A_55 = arith.addf %slice3A_54, %reshape3A_14 : vector<4x8xf32>
    %slice3A_56 = vector.extract_strided_slice %dot_general3A_53 {offsets = [8, 0], sizes = [4, 8], strides = [1, 1]} : vector<12x8xf32> to vector<4x8xf32>
    %add3A_57 = arith.addf %slice3A_56, %reshape3A_17 : vector<4x8xf32>
    %mul3A_58 = arith.constant 1.280000e+02 : f32
    %mul3A_59 = vector.broadcast %mul3A_58 : f32 to vector<4x8xf32>
    %mul3A_60 = arith.mulf %add3A_57, %mul3A_59 : vector<4x8xf32>
    %mul3A_61 = arith.mulf %add3A, %add3A : vector<4x8xf32>
    %div3A_62 = arith.divf %mul3A_61, %mul3A_60 : vector<4x8xf32>
    %sub3A_63 = arith.subf %add3A_55, %div3A_62 : vector<4x8xf32>
    %sub3A_64 = arith.constant 1.000000e+00 : f32
    %sub3A_65 = vector.broadcast %sub3A_64 : f32 to vector<4x8xf32>
    %sub3A_66 = arith.subf %mul3A_60, %sub3A_65 : vector<4x8xf32>
    %div3A_67 = arith.divf %sub3A_63, %sub3A_66 : vector<4x8xf32>
    %iota3A_68 = tpu.iota {dimensions = array<i32: 0>} : vector<4x8xi32>
    %iota3A_69 = tpu.iota {dimensions = array<i32: 1>} : vector<4x8xi32>
    %mul3A_70 = arith.constant 8 : i32
    %mul3A_71 = vector.broadcast %mul3A_70 : i32 to vector<4x8xi32>
    %mul3A_72 = arith.muli %iota3A_68, %mul3A_71 : vector<4x8xi32>
    %add3A_73 = arith.addi %mul3A_72, %iota3A_69 : vector<4x8xi32>
    %lt3A = arith.constant 26 : i32
    %lt3A_74 = vector.broadcast %lt3A : i32 to vector<4x8xi32>
    %lt3A_75 = arith.cmpi slt, %add3A_73, %lt3A_74 : vector<4x8xi32>
    %sqrt3A = math.sqrt %div3A_67 : vector<4x8xf32>
    %jit3A_76 = arith.constant 0.000000e+00 : f32
    %broadcast_in_dim3A = vector.broadcast %jit3A_76 : f32 to vector<4x8xf32>
    %select_n3A_77 = arith.select %lt3A_75, %sqrt3A, %broadcast_in_dim3A : vector<4x8xi1>, vector<4x8xf32>
    %reduce_sum3A_78 = vector.shape_cast %select_n3A_77 : vector<4x8xf32> to vector<1x4x8xf32>
    %reduce_sum3A_79 = arith.constant dense<0.000000e+00> : vector<1xf32>
    %reduce_sum3A_80 = vector.multi_reduction <add>, %reduce_sum3A_78, %reduce_sum3A_79 [1, 2] : vector<1x4x8xf32> to vector<1xf32>
    %reduce_sum3A_81 = vector.shape_cast %reduce_sum3A_80 : vector<1xf32> to vector<1x1x1xf32>
    %reduce_sum3A_82 = vector.extract %reduce_sum3A_81[0, 0, 0] : f32 from vector<1x1x1xf32>
    %broadcast_in_dim3A_83 = vector.broadcast %reduce_sum3A_82 : f32 to vector<1x1xf32>
    %swap3A = arith.constant 0 : index
    %swap3A_84 = arith.constant 0 : index
    %swap3A_85 = vector.load %arg4[%swap3A, %swap3A_84] : memref<1x1xf32, #tpu.memory_space<vmem>>, vector<1x1xf32>
    tpu.vector_store %arg4[%swap3A, %swap3A_84], %broadcast_in_dim3A_83 {strides = array<i32>} : memref<1x1xf32, #tpu.memory_space<vmem>>, vector<1x1xf32>,
    return
  }
  func.func @transform_0(%arg0: i32) -> (i32, i32) {
    %c0_i32 = arith.constant 0 : i32
    %c0_i32_0 = arith.constant 0 : i32
    %c0_i32_1 = arith.constant 0 : i32
    return %c0_i32, %c0_i32_0 : i32, i32
  }
  func.func @transform_1(%arg0: i32) -> (i32, i32) {
    %c3_i32 = arith.constant 3 : i32
    %c0_i32 = arith.constant 0 : i32
    %c0_i32_0 = arith.constant 0 : i32
    return %c3_i32, %c0_i32 : i32, i32
  }
  func.func @transform_2(%arg0: i32) -> (i32, i32) {
    %c3_i32 = arith.constant 3 : i32
    %c0_i32 = arith.constant 0 : i32
    %c0_i32_0 = arith.constant 0 : i32
    return %c3_i32, %c0_i32 : i32, i32
  }
  func.func @transform_3(%arg0: i32) -> (i32, i32) {
    %c0_i32 = arith.constant 0 : i32
    %c0_i32_0 = arith.constant 0 : i32
    %c0_i32_1 = arith.constant 0 : i32
    return %c0_i32, %c0_i32_0 : i32, i32
  }
}

</mosaic_0001>

<sc_bundles>
// kernel: kernel.4.cloned.1.call-start
scs
__scs_entry_jumppad:
0x0: {  	(pc) =	sbr.rel $0x88, $3  }
0x1: {  	(tag) =	ssettag $0x0;
	lr =	simm.s32 $0x1  }
0x2: {  	[smem:$0x3F9F] =	sst lr;
	_ =	strace $0xD0000000  }
0x3: {  	_ = 	snop  }
0x4: {  	_ = 	snop  }
0x5: {  	_ = 	snop  }
0x6: {  	_ = 	snop  }
0x7: {  	_ = 	snop  }
__scs_overlays_trampoline_lowered:
0x8: {  	[smem:$0x3FAE] =	sst s0  }
0x9: {  	[smem:$0x3FAF] =	sst s1  }
0xa: {  	[smem:$0x3FB0] =	sst s2  }
0xb: {  	[smem:$0x3FB1] =	sst s3  }
0xc: {  	[smem:$0x3FB2] =	sst s4  }
0xd: {  	[smem:$0x3FB3] =	sst s5  }
0xe: {  	[smem:$0x3FB4] =	sst s6  }
0xf: {  	[smem:$0x3FB5] =	sst s7  }
0x10: {  	[smem:$0x3FB6] =	sst s8  }
0x11: {  	[smem:$0x3FB7] =	sst s9;
	s0 =	simm.s32 @!p0 $0x0  }
0x12: {  	s1 =	sld [smem:$0x3F9D];
	s0 =	simm.s32 @p0 $0x1  }
0x13: {  	[smem:$0x3FB8] =	sst s0;
	s0 =	simm.s32 @!p1 $0x0  }
0x14: {  	s2 =	sld [smem:$0x3F9C];
	s0 =	simm.s32 @p1 $0x1  }
0x15: {  	[smem:$0x3FB9] =	sst s0;
	s0 =	simm.s32 @!p2 $0x0  }
0x16: {  	s3 =	sld [smem:$0x3FDB];
	s0 =	simm.s32 @p2 $0x1  }
0x17: {  	s4 =	simm.s32 $0x1BF5;
	[smem:$0x3FBB] =	sst s0  }
0x18: {  	s0 =	sld [smem:$0x3F9E];
	_ =	swait.ge [sflag:s4], $0x0  }
0x19: {  	s7 =	sld [smem:$0x3F9F]  }
0x1a: {  	s8 =	sadd.s32 $0xFFFFE003, lr  }
0x1b: {  	s9 =	sadd.s32 $0xFFFFFEF7, lr;
	s5 =	simm.s32 $0xFFFFFFFF;
	p2 =	slt.u32 s8, $0xFFFFF086  }
0x1c: {  	p1 =	slt.u32 s9, $0xF7A;
	s5 =	simm.s32 @!p2 $0x0  }
0x1d: {  	s5 =	simm.s32 @p1 $0x1;
	p0 =	seq.s32 s7, s2  }
0x1e: {  	s7 =	smul.u32 @!p0 $0xF7A, s2;
	p2 =	seq.s32 @!p0 s5, $0x0  }
0x1f: {  	s9 =	smul.u32 $0xF7A, s1;
	s8 =	simm.s32 @!p0 $0x1BF5;
	p2 =	por !p2, p0  }
0x20: {  	[sflag:s8] =	ssyncset.s32 @!p0 $0xFFFFF086;
	s6 =	sadd.s32 @!p0 s3, s7;
	s7 =	simm.s32 @!p0 $0x108  }
0x21: {  	s3 =	sadd.s32 s3, s9;
	s6 =	sadd.s32 @!p0 $0x88, s6;
	s7 =	simm.s32 @p2 $0x1082  }
0x22: {  	[simem:s7], [sflag:s8] =	dma.local @!p0 [hbm:s6], $0xF7A  }
0x23: {  	s9 =	sor.u32 $0xD0000000, s2;
	s6 =	simm.s32 $0x108;
	_ =	swait.ge @!p0 [sflag:s8], $0x0  }
0x24: {  	s3 =	sadd.s32 $0x88, s3;
	s6 =	simm.s32 @!p1 $0x1082;
	[sflag:s4] =	ssyncset.s32 $0xFFFFF086  }
0x25: {  	[simem:s6], [sflag:s4] =	dma.local [hbm:s3], $0xF7A  }
0x26: {  	[smem:$0x3F9F] =	sst s1;
	(tag) =	ssettag s2;
	_ =	strace s9  }
0x27: {  	s1 =	sld [smem:$0x3FAF]  }
0x28: {  	s2 =	sld [smem:$0x3FB0]  }
0x29: {  	s4 =	sld [smem:$0x3FB2]  }
0x2a: {  	p0 =	seq.s32 s5, $0x0;
	s5 =	sld [smem:$0x3FB3]  }
0x2b: {  	s6 =	sld [smem:$0x3FB4]  }
0x2c: {  	s7 =	sld [smem:$0x3FB5]  }
0x2d: {  	s3 =	simm.s32 $0x108;
	s8 =	sld [smem:$0x3FB6]  }
0x2e: {  	s3 =	simm.s32 @!p0 $0x1082;
	s9 =	sld [smem:$0x3FB7]  }
0x2f: {  	lr =	sadd.s32 s0, s3;
	s0 =	sld [smem:$0x3FAE]  }
0x30: {  	s3 =	sld [smem:$0x3FB1]  }
0x31: {  	[smem:$0x3FBA] =	sst s10  }
0x32: {  	s10 =	sld [smem:$0x3FB8];
	_ =	sdelay $0x3  }
0x33: {  	p0 =	seq.s32 s10, $0x1;
	s10 =	sld [smem:$0x3FBA];
	_ =	sdelay $0x3  }
0x34: {  	[smem:$0x3FBA] =	sst s10  }
0x35: {  	s10 =	sld [smem:$0x3FB9];
	_ =	sdelay $0x3  }
0x36: {  	p1 =	seq.s32 s10, $0x1;
	s10 =	sld [smem:$0x3FBA];
	_ =	sdelay $0x3  }
0x37: {  	[smem:$0x3FBA] =	sst s10  }
0x38: {  	s10 =	sld [smem:$0x3FBB]  }
0x39: {  	_ = 	snop;
	(pc) =	sbr.ind lr, $3  }
0x3a: {  	_ = 	snop  }
0x3b: {  	_ = 	snop  }
0x3c: {  	p2 =	seq.s32 s10, $0x1;
	s10 =	sld [smem:$0x3FBA]  }
0x3d: {  	_ =	shalt  }
0x3e: {  	_ =	shalt  }
0x3f: {  	_ =	shalt  }
0x40: {  	_ =	shalt  }
0x41: {  	_ =	shalt  }
0x42: {  	_ =	shalt  }
0x43: {  	_ =	shalt  }
0x44: {  	_ =	shalt  }
0x45: {  	_ =	shalt  }
0x46: {  	_ =	shalt  }
0x47: {  	_ =	shalt  }
0x48: {  	_ =	shalt  }
0x49: {  	_ =	shalt  }
0x4a: {  	_ =	shalt  }
0x4b: {  	_ =	shalt  }
0x4c: {  	_ =	shalt  }
0x4d: {  	_ =	shalt  }
0x4e: {  	_ =	shalt  }
0x4f: {  	_ =	shalt  }
0x50: {  	_ =	shalt  }
0x51: {  	_ =	shalt  }
0x52: {  	_ =	shalt  }
0x53: {  	_ =	shalt  }
0x54: {  	_ =	shalt  }
0x55: {  	_ =	shalt  }
0x56: {  	_ =	shalt  }
0x57: {  	_ =	shalt  }
0x58: {  	_ =	shalt  }
0x59: {  	_ =	shalt  }
0x5a: {  	_ =	shalt  }
0x5b: {  	_ =	shalt  }
0x5c: {  	_ =	shalt  }
0x5d: {  	_ =	shalt  }
0x5e: {  	_ =	shalt  }
0x5f: {  	_ =	shalt  }
0x60: {  	_ =	shalt  }
0x61: {  	_ =	shalt  }
0x62: {  	_ =	shalt  }
0x63: {  	_ =	shalt  }
0x64: {  	_ =	shalt  }
0x65: {  	_ =	shalt  }
0x66: {  	_ =	shalt  }
0x67: {  	_ =	shalt  }
0x68: {  	_ =	shalt  }
0x69: {  	_ =	shalt  }
0x6a: {  	_ =	shalt  }
0x6b: {  	_ =	shalt  }
0x6c: {  	_ =	shalt  }
0x6d: {  	_ =	shalt  }
0x6e: {  	_ =	shalt  }
0x6f: {  	_ =	shalt  }
0x70: {  	_ =	shalt  }
0x71: {  	_ =	shalt  }
0x72: {  	_ =	shalt  }
0x73: {  	_ =	shalt  }
0x74: {  	_ =	shalt  }
0x75: {  	_ =	shalt  }
0x76: {  	_ =	shalt  }
0x77: {  	_ =	shalt  }
0x78: {  	_ =	shalt  }
0x79: {  	_ =	shalt  }
0x7a: {  	_ =	shalt  }
0x7b: {  	_ =	shalt  }
0x7c: {  	_ =	shalt  }
0x7d: {  	_ =	shalt  }
0x7e: {  	_ =	shalt  }
0x7f: {  	_ =	shalt  }
0x80: {  	_ =	shalt  }
0x81: {  	_ =	shalt  }
0x82: {  	_ =	shalt  }
0x83: {  	_ =	shalt  }
0x84: {  	_ =	shalt  }
0x85: {  	_ =	shalt  }
0x86: {  	_ =	shalt  }
0x87: {  	_ =	shalt  }
.Lfunc_end0:
.L_simem_size_0:
called_computation_lowered:
.L_overlay_start_0:
0x88: {  	s2 =	sld [smem:$0x3FD9]  }
0x89: {  	s3 =	sld [smem:$0x3FFE];
	_ =	sdelay $0x1  }
0x8a: {  	s1 =	srdreg.scid  }
0x8b: {  	s0 =	sand.u32 $0x1, s1  }
0x8c: {  	s17 =	sshll.u32 s0, $0xA;
	s2 =	sadd.s32 s3, s2  }
0x8d: {  	s2 =	sadd.s32 s2, s17  }
0x8e: {  	[smem:$0x3FC6] =	sst s2  }
0x8f: {  	_ = 	snop  }
0x90: {  	s2 =	sld [smem:$0x3FC9]  }
0x91: {  	s18 =	sld [smem:$0x3FC8];
	(tm) =	ssettm $0x1  }
0x92: {  	s4 =	sld [smem:$0x3FFB];
	_ =	sdelay $0x3  }
0x93: {  	_ =	strace s4  }
0x94: {  	s4 =	sld [smem:$0x3FFC];
	_ =	sdelay $0x3  }
0x95: {  	_ =	strace s4  }
0x96: {  	s4 =	sld [smem:$0x3FFD];
	_ =	sdelay $0x3  }
0x97: {  	_ =	strace s4  }
0x98: {  	_ =	strace $0x8FFFFFFF  }
0x99: {  	s19 =	sld [smem:$0x3FDB];
	_ =	sdelay $0x1  }
0x9a: {  	s5 =	simm.s32 $_scs_section_size  }
0x9b: {  	s6 =	simm.s32 $_size__tile_overlayer_lowered;
	s7 =	simm.s32 $_tile_overlayer_lowered  }
0x9c: {  	s22 =	simm.s32 $0x1BFF;
	s21 =	sshll.u32 s7, $0x1;
	s4 =	sadd.s32 s5, s19  }
0x9d: {  	s8 =	simm.s32 $0x0;
	s20 =	sshll.u32 s6, $0x1;
	s6 =	sadd.s32 s21, s4  }
0x9e: {  	[timem:s8], [sflag:s22] =	dma.local [hbm:s6], s20  }
0x9f: {  	_ =	swait.ge [sflag:s22], s20  }
0xa0: {  	s5 =	ssub.s32 $0x0, s20;
	[sflag:s22] =	ssyncset.done $0x0  }
0xa1: {  	[sflag:s22] =	ssyncadd.s32 s5;
	_ =	sdelay $0x1  }
0xa2: {  	s23 =	simm.s32 $0x1B8B  }
0xa3: {  	_ =	swait.ge [sflag:s23], $0x1  }
0xa4: {  	[sflag:s23] =	ssyncset.done $0x0  }
0xa5: {  	s25 =	simm.s32 $0x1B8E;
	s24 =	sld [smem:$0x3FFE];
	[sflag:s23] =	ssyncadd.s32 $0xFFFFFFFF  }
0xa6: {  	s26 =	simm.s32 $execute0_lowered;
	[smem:$0x3FD2] =	sst s25  }
0xa7: {  	s6 =	sshll.u32 s26, $0x1;
	_ =	strace $0x80000046;
	[dreg:$0x1] =	wrdreg $0xFFFFFFFF  }
0xa8: {  	s28 =	simm.s32 $_size_execute0_lowered;
	s4 =	sadd.s32 s4, s6;
	[dreg:$0x0] =	wrdreg $0x0  }
0xa9: {  	s6 =	sshll.u32 s28, $0x1;
	[dreg:$0x2] =	wrdreg s4  }
0xaa: {  	[dreg:$0x3] =	wrdreg s6  }
0xab: {  	[dreg:$0x4] =	wrdreg $0xC0  }
0xac: {  	_ =	task [dreg:s8], $0x5FFFF  }
0xad: {  	[dreg:$0x1] =	wrdreg $0xFFFFFFFF  }
0xae: {  	[dreg:$0x0] =	wrdreg $0x60  }
0xaf: {  	[dreg:$0x2] =	wrdreg s2  }
0xb0: {  	[dreg:$0x3] =	wrdreg s18  }
0xb1: {  	[dreg:$0x4] =	wrdreg s24  }
0xb2: {  	[dreg:$0x5] =	wrdreg $0x9  }
0xb3: {  	_ =	task.clear_ibuf [dreg:s8], $0x6FFFF;
	_ =	strace $0x90000046  }
0xb4: {  	s29 =	simm.s32 $0x9;
	_ =	strace $0x80000048  }
0xb5: {  	_ =	swait.ge [sflag:s29], $0x1  }
0xb6: {  	[sflag:s29] =	ssyncadd.s32 $0xFFFFFFFF  }
0xb7: {  	_ =	strace $0x90000048  }
0xb8: {  	_ =	sfence  }
0xb9: {  	s30 =	sld [smem:$0x0];
	_ =	sdelay $0x2  }
0xba: {  	s31 =	sshll.u32 s1, $0xD;
	s1 =	sshrl.u32 s1, $0x2  }
0xbb: {  	s3 =	sand.u32 $0x4000, s31;
	s1 =	sadd.s32 s1, s30  }
0xbc: {  	s0 =	sor.u32 s3, s0;
	s1 =	sshll.u32 s1, $0x11  }
0xbd: {  	s0 =	sor.u32 s1, s0  }
0xbe: {  	s0 =	sadd.s32 $0x8F2B, s0  }
0xbf: {  	[sflag:s0] =	ssyncadd.remote.s32 $0x1  }
0xc0: {  	_ =	sfence.sel $0xFFFF  }
0xc1: {  	[dreg:$0x0] =	wrdreg $0xFFFFFFFF;
	(pc) =	sbr.abs _section_cstart, $3  }
0xc2: {  	[dreg:$0x1] =	wrdreg $0xFFFFFFFF  }
0xc3: {  	_ =	task.clear_ibuf [dreg:s8], $0x2FFFF;
	_ =	strace $0x9FFFFFFF  }
0xc4: {  	(tm) =	ssettm $0x7FFFFFFF  }
0xc5: {  	_ =	shalt  }
tec
execute0_lowered:
.L_overlay_start_1:
0x0: {  	(tag) =	ssettag $0x1  }
0x1: {  	s6 =	rddreg [dreg:$0x0]  }
0x2: {  	s4 =	rddreg [dreg:$0x1];
	s1 =	srdreg.scid  }
0x3: {  	s0 =	stileid.u32;
	s3 =	rddreg [dreg:$0x2]  }
0x4: {  	s2 =	simm.s32 $0x0;
	s13 =	simm.s32 $0x5;
	s14 =	simm.s32 $0x1  }
0x5: {  	s15 =	simm.s32 $0x6000;
	s5 =	sand.u32 $0x1, s1;
	s7 =	sshll.u32 s0, $0x1  }
0x6: {  	s16 =	simm.s32 $0xC580;
	s17 =	simm.s32 $0xC180;
	s7 =	sor.u32 s5, s7  }
0x7: {  	s18 =	simm.s32 $0xC380;
	s19 =	simm.s32 $0x6;
	s8 =	smul.u32 $0x600, s7  }
0x8: {  	s20 =	simm.s32 $0x0;
	s1 =	rddreg [dreg:$0x3];
	s9 =	smul.u32 $0x1800, s7  }
0x9: {  	[smem:$0x7FF] =	sst s2;
	s5 =	ssub.s32 $0x2, s5;
	s10 =	smul.u32 $0xC000, s7  }
0xa: {  	_ =	strace $0x80000047;
	s29 =	sshrl.u32 s5, $0x1;
	s7 =	smul.u32 $0x30, s7  }
0xb: {  	s12 =	ssub.s32 s5, s29;
	s8 =	sshrl.u32 s8, $0x3;
	s30 =	sshrl.u32 s10, $0x3  }
0xc: {  	s11 =	sadd.s32 s8, s3;
	s3 =	sadd.s32 s6, s9;
	s31 =	sadd.s32 s6, s30  }
0xd: {  	s4 =	sadd.s32 s4, s7;
	s5 =	sadd.s32 $0x600, s3;
	s6 =	sadd.s32 $0xC00, s31  }
0xe: {  	s7 =	sadd.s32 $0x1200, s31;
	s8 =	sadd.s32 $0xA00, s11;
	s9 =	sadd.s32 $0xA40, s11  }
0xf: {  	v0 =	vimm.f32 $0.0e+00;
	v1 =	vlaneseq.u32;
	v2 =	vimm.f32 $1.000000000e+00;
	s10 =	sadd.s32 $0xA80, s11;
	s11 =	smax.u32 s12, $0x1;
	s12 =	simm.s32 $0x3000  }
.LBB2_1:
0x10: {  	s21 =	simm.s32 $0xC000  }
0x11: {  	[tilespmem:s21], [sflag:$0x5] =	stream.linear.gather [hbm4b:s4+s2], $0x180, $0x38;
	[tilespmem:$0xC780] =	vst v63  }
0x12: {  	_ = 	snop  }
0x13: {  	[tilespmem:s2], [sflag:$0x1] =	stream.linear.gather [hbm4b:s3+s2], $0x3000, $0x38;
	[tilespmem:$0xC780] =	vst v63  }
0x14: {  	_ = 	snop  }
0x15: {  	[tilespmem:s12], [sflag:$0x2] =	stream.linear.gather [hbm4b:s5+s2], $0x3000, $0x38;
	[tilespmem:$0xC780] =	vst v63  }
0x16: {  	[tilespmem:$0xC180] =	vst v0  }
0x17: {  	[tilespmem:$0xC380] =	vst v0  }
0x18: {  	[tilespmem:$0xC580] =	vst v0  }
0x19: {  	[tilespmem:$0xC190] =	vst v0  }
0x1a: {  	[tilespmem:$0xC390] =	vst v0  }
0x1b: {  	[tilespmem:$0xC590] =	vst v0  }
0x1c: {  	[tilespmem:$0xC1A0] =	vst v0  }
0x1d: {  	[tilespmem:$0xC3A0] =	vst v0  }
0x1e: {  	[tilespmem:$0xC5A0] =	vst v0  }
0x1f: {  	[tilespmem:$0xC1B0] =	vst v0  }
0x20: {  	[tilespmem:$0xC3B0] =	vst v0  }
0x21: {  	[tilespmem:$0xC5B0] =	vst v0  }
0x22: {  	[tilespmem:$0xC1C0] =	vst v0  }
0x23: {  	[tilespmem:$0xC3C0] =	vst v0  }
0x24: {  	[tilespmem:$0xC5C0] =	vst v0  }
0x25: {  	[tilespmem:$0xC1D0] =	vst v0  }
0x26: {  	[tilespmem:$0xC3D0] =	vst v0  }
0x27: {  	[tilespmem:$0xC5D0] =	vst v0  }
0x28: {  	[tilespmem:$0xC1E0] =	vst v0  }
0x29: {  	[tilespmem:$0xC3E0] =	vst v0  }
0x2a: {  	[tilespmem:$0xC5E0] =	vst v0  }
0x2b: {  	[tilespmem:$0xC1F0] =	vst v0  }
0x2c: {  	[tilespmem:$0xC3F0] =	vst v0  }
0x2d: {  	[tilespmem:$0xC5F0] =	vst v0  }
0x2e: {  	[tilespmem:$0xC200] =	vst v0  }
0x2f: {  	[tilespmem:$0xC400] =	vst v0  }
0x30: {  	[tilespmem:$0xC600] =	vst v0  }
0x31: {  	[tilespmem:$0xC210] =	vst v0  }
0x32: {  	[tilespmem:$0xC410] =	vst v0  }
0x33: {  	[tilespmem:$0xC610] =	vst v0  }
0x34: {  	[tilespmem:$0xC220] =	vst v0  }
0x35: {  	[tilespmem:$0xC420] =	vst v0  }
0x36: {  	[tilespmem:$0xC620] =	vst v0  }
0x37: {  	[tilespmem:$0xC230] =	vst v0  }
0x38: {  	[tilespmem:$0xC430] =	vst v0  }
0x39: {  	[tilespmem:$0xC630] =	vst v0  }
0x3a: {  	[tilespmem:$0xC240] =	vst v0  }
0x3b: {  	[tilespmem:$0xC440] =	vst v0  }
0x3c: {  	[tilespmem:$0xC640] =	vst v0  }
0x3d: {  	[tilespmem:$0xC250] =	vst v0  }
0x3e: {  	[tilespmem:$0xC450] =	vst v0  }
0x3f: {  	[tilespmem:$0xC650] =	vst v0  }
0x40: {  	[tilespmem:$0xC260] =	vst v0  }
0x41: {  	[tilespmem:$0xC460] =	vst v0  }
0x42: {  	[tilespmem:$0xC660] =	vst v0  }
0x43: {  	[tilespmem:$0xC270] =	vst v0  }
0x44: {  	[tilespmem:$0xC470] =	vst v0  }
0x45: {  	[tilespmem:$0xC670] =	vst v0  }
0x46: {  	[tilespmem:$0xC280] =	vst v0  }
0x47: {  	[tilespmem:$0xC480] =	vst v0  }
0x48: {  	[tilespmem:$0xC680] =	vst v0  }
0x49: {  	[tilespmem:$0xC290] =	vst v0  }
0x4a: {  	[tilespmem:$0xC490] =	vst v0  }
0x4b: {  	[tilespmem:$0xC690] =	vst v0  }
0x4c: {  	[tilespmem:$0xC2A0] =	vst v0  }
0x4d: {  	[tilespmem:$0xC4A0] =	vst v0  }
0x4e: {  	[tilespmem:$0xC6A0] =	vst v0  }
0x4f: {  	[tilespmem:$0xC2B0] =	vst v0  }
0x50: {  	[tilespmem:$0xC4B0] =	vst v0  }
0x51: {  	[tilespmem:$0xC6B0] =	vst v0  }
0x52: {  	[tilespmem:$0xC2C0] =	vst v0  }
0x53: {  	[tilespmem:$0xC4C0] =	vst v0  }
0x54: {  	[tilespmem:$0xC6C0] =	vst v0  }
0x55: {  	[tilespmem:$0xC2D0] =	vst v0  }
0x56: {  	[tilespmem:$0xC4D0] =	vst v0  }
0x57: {  	[tilespmem:$0xC6D0] =	vst v0  }
0x58: {  	[tilespmem:$0xC2E0] =	vst v0  }
0x59: {  	[tilespmem:$0xC4E0] =	vst v0  }
0x5a: {  	[tilespmem:$0xC6E0] =	vst v0  }
0x5b: {  	[tilespmem:$0xC2F0] =	vst v0  }
0x5c: {  	[tilespmem:$0xC4F0] =	vst v0  }
0x5d: {  	[tilespmem:$0xC6F0] =	vst v0  }
0x5e: {  	[tilespmem:$0xC300] =	vst v0  }
0x5f: {  	[tilespmem:$0xC500] =	vst v0  }
0x60: {  	[tilespmem:$0xC700] =	vst v0  }
0x61: {  	[tilespmem:$0xC310] =	vst v0  }
0x62: {  	[tilespmem:$0xC510] =	vst v0  }
0x63: {  	[tilespmem:$0xC710] =	vst v0  }
0x64: {  	[tilespmem:$0xC320] =	vst v0  }
0x65: {  	[tilespmem:$0xC520] =	vst v0  }
0x66: {  	[tilespmem:$0xC720] =	vst v0  }
0x67: {  	[tilespmem:$0xC330] =	vst v0  }
0x68: {  	[tilespmem:$0xC530] =	vst v0  }
0x69: {  	[tilespmem:$0xC730] =	vst v0  }
0x6a: {  	[tilespmem:$0xC340] =	vst v0  }
0x6b: {  	[tilespmem:$0xC540] =	vst v0  }
0x6c: {  	[tilespmem:$0xC740] =	vst v0  }
0x6d: {  	[tilespmem:$0xC350] =	vst v0  }
0x6e: {  	[tilespmem:$0xC550] =	vst v0  }
0x6f: {  	[tilespmem:$0xC750] =	vst v0  }
0x70: {  	[tilespmem:$0xC360] =	vst v0  }
0x71: {  	[tilespmem:$0xC560] =	vst v0  }
0x72: {  	[tilespmem:$0xC760] =	vst v0  }
0x73: {  	[tilespmem:$0xC370] =	vst v0  }
0x74: {  	[tilespmem:$0xC570] =	vst v0  }
0x75: {  	[tilespmem:$0xC770] =	vst v0  }
0x76: {  	_ =	swait.ge [sflag:s13], $0x180  }
0x77: {  	[sflag:s13] =	ssyncset.done $0x0  }
0x78: {  	[sflag:s13] =	ssyncadd.s32 $0xFFFFFE80  }
0x79: {  	_ =	swait.ge [sflag:s14], $0x3000  }
0x7a: {  	[sflag:s14] =	ssyncset.done $0x0  }
0x7b: {  	s22 =	simm.s32 $0x400;
	s23 =	simm.s32 $0x0;
	[sflag:s14] =	ssyncadd.s32 $0xFFFFD000  }
0x7c: {  	[tilespmem:s15], [sflag:$0x3] =	stream.linear.gather [hbm4b:s6+s2], $0x3000, $0x38;
	[tilespmem:$0xC780] =	vst v63  }
.LBB2_2:
0x7d: {  	p0 =	seq.s32 s23, $0x12  }
0x7e: {  	s24 =	simm.s32 @p0 $0x4  }
0x7f: {  	p1 =	seq.s32 @!p0 s23, $0xC;
	_ =	swait.ge @p0 [sflag:s24], $0x3000  }
0x80: {  	p2 =	por !p1, p0;
	p3 =	por p1, p0;
	[sflag:s24] =	ssyncset.done @p0 $0x0  }
0x81: {  	p3 =	sne.s32 @!p3 s23, $0x6;
	[sflag:s24] =	ssyncadd.s32 @p0 $0xFFFFD000;
	s24 =	simm.s32 @!p2 $0x3  }
0x82: {  	p1 =	por @!p0 p3, p1;
	_ =	swait.ge @!p2 [sflag:s24], $0x3000  }
0x83: {  	p0 =	por p1, p0;
	[sflag:s24] =	ssyncset.done @!p2 $0x0  }
0x84: {  	[sflag:s24] =	ssyncadd.s32 @!p2 $0xFFFFD000;
	s24 =	simm.s32 @!p0 $0x2  }
0x85: {  	_ =	swait.ge @!p0 [sflag:s24], $0x3000  }
0x86: {  	[sflag:s24] =	ssyncset.done @!p0 $0x0  }
0x87: {  	s25 =	simm.s32 @!p0 $0x9000;
	[sflag:s24] =	ssyncadd.s32 @!p0 $0xFFFFD000;
	s24 =	simm.s32 @!p0 $0x0  }
0x88: {  	[tilespmem:s25], [sflag:$0x4] =	stream.linear.gather @!p0 [hbm4b:s7+s24], $0x3000, $0x38;
	[tilespmem:$0xC780] =	vst v63  }
0x89: {  	v3 =	vld [tilespmem:s22+$0xFFFFFC00]  }
0x8a: {  	v4 =	vld [tilespmem:s22+$0xFFFFFC10]  }
0x8b: {  	v5 =	vld [tilespmem:s22+$0xFFFFFC20]  }
0x8c: {  	v6 =	vld [tilespmem:s22+$0xFFFFFC30]  }
0x8d: {  	v7 =	vld [tilespmem:s22+$0xFFFFFC40]  }
0x8e: {  	v8 =	vld [tilespmem:s22+$0xFFFFFC50]  }
0x8f: {  	v9 =	vld [tilespmem:s22+$0xFFFFFC60]  }
0x90: {  	v10 =	vld [tilespmem:s22+$0xFFFFFC70]  }
0x91: {  	v13 =	vld [tilespmem:s22+$0xFFFFFC80]  }
0x92: {  	v15 =	vld [tilespmem:s22+$0xFFFFFC90]  }
0x93: {  	v17 =	vld [tilespmem:s22+$0xFFFFFCA0]  }
0x94: {  	v41 =	vld [tilespmem:s22+$0xFFFFFCB0]  }
0x95: {  	v44 =	vld [tilespmem:s22+$0xFFFFFCC0]  }
0x96: {  	v47 =	vld [tilespmem:s22+$0xFFFFFCD0]  }
0x97: {  	v48 =	vld [tilespmem:s22+$0xFFFFFCE0]  }
0x98: {  	v49 =	vld [tilespmem:s22+$0xFFFFFCF0]  }
0x99: {  	v50 =	vld [tilespmem:s22+$0xFFFFFD00]  }
0x9a: {  	v54 =	vld [tilespmem:s22+$0xFFFFFD10]  }
0x9b: {  	v57 =	vld [tilespmem:s22+$0xFFFFFD20]  }
0x9c: {  	v19 =	vld [tilespmem:s22+$0xFFFFFD30]  }
0x9d: {  	v21 =	vld [tilespmem:s22+$0xFFFFFD40]  }
0x9e: {  	v58 =	vld [tilespmem:s22+$0xFFFFFD50]  }
0x9f: {  	v59 =	vld [tilespmem:s22+$0xFFFFFD60]  }
0xa0: {  	v62 =	vld [tilespmem:s22+$0xFFFFFD70]  }
0xa1: {  	v29 =	vld [tilespmem:s22+$0xFFFFFD80]  }
0xa2: {  	v31 =	vld [tilespmem:s22+$0xFFFFFD90];
	v11 =	vadd.f32 v4, v3;
	v3 =	vmul.f32 v3, v3  }
0xa3: {  	v23 =	vld [tilespmem:s22+$0xFFFFFDA0];
	v4 =	vmul.f32 v4, v4;
	v12 =	vadd.f32 v6, v5;
	v5 =	vmul.f32 v5, v5  }
0xa4: {  	v25 =	vld [tilespmem:s22+$0xFFFFFDB0];
	v6 =	vmul.f32 v6, v6;
	v14 =	vadd.f32 v8, v7;
	v7 =	vmul.f32 v7, v7  }
0xa5: {  	v36 =	vld [tilespmem:s22+$0xFFFFFDE0];
	v8 =	vmul.f32 v8, v8;
	v16 =	vadd.f32 v10, v9;
	v9 =	vmul.f32 v9, v9  }
0xa6: {  	v37 =	vld [tilespmem:s22+$0xFFFFFDF0];
	v10 =	vmul.f32 v10, v10;
	v51 =	vadd.f32 v15, v13;
	v52 =	vmul.f32 v13, v13  }
0xa7: {  	v33 =	vld [tilespmem:s22+$0xFFFFFDC0];
	v53 =	vmul.f32 v15, v15;
	v55 =	vadd.f32 v41, v17;
	v18 =	vadd.f32 v47, v44  }
0xa8: {  	v34 =	vld [tilespmem:s22+$0xFFFFFDD0];
	v56 =	vmul.f32 v17, v17;
	v20 =	vadd.f32 v49, v48;
	v63 =	vadd.f32 v54, v50  }
0xa9: {  	v38 =	vld [tilespmem:s22+$0xFFFFFE00];
	v28 =	vmul.f32 v54, v54;
	v30 =	vadd.f32 v19, v57;
	v17 =	vmul.f32 v57, v57  }
0xaa: {  	v39 =	vld [tilespmem:s22+$0xFFFFFE10];
	v19 =	vmul.f32 v19, v19;
	v22 =	vadd.f32 v58, v21;
	v24 =	vadd.f32 v62, v59  }
0xab: {  	v27 =	vld [tilespmem:s22+$0xFFFFFE50];
	v21 =	vmul.f32 v21, v21;
	v26 =	vadd.f32 v37, v36;
	v3 =	vadd.f32 v4, v3  }
0xac: {  	v13 =	vmul.f32 v58, v58;
	v57 =	vld [tilespmem:s22+$0xFFFFFEA0];
	v40 =	vadd.f32 v6, v5;
	v42 =	vadd.f32 v8, v7  }
0xad: {  	v43 =	vadd.f32 v10, v9;
	v45 =	vadd.f32 v12, v11;
	v5 =	vmul.f32 v41, v41;
	v9 =	vld [tilespmem:s21+$0x0]  }
0xae: {  	v46 =	vadd.f32 v16, v14;
	v8 =	vmul.f32 v44, v44;
	v7 =	vmul.f32 v48, v48;
	v48 =	vld [tilespmem:s22+$0xFFFFFE40]  }
0xaf: {  	v11 =	vmul.f32 v47, v47;
	v10 =	vadd.f32 v53, v52;
	v60 =	vadd.f32 v55, v51;
	v51 =	vld [tilespmem:s22+$0xFFFFFE70]  }
0xb0: {  	v12 =	vmul.f32 v49, v49;
	v61 =	vadd.f32 v20, v18;
	v32 =	vadd.f32 v19, v17;
	v53 =	vld [tilespmem:s22+$0xFFFFFE80]  }
0xb1: {  	v16 =	vmul.f32 v62, v62;
	v13 =	vadd.f32 v13, v21;
	v18 =	vadd.f32 v30, v63;
	v55 =	vld [tilespmem:s22+$0xFFFFFE90]  }
0xb2: {  	v35 =	vadd.f32 v24, v22;
	v14 =	vmul.f32 v29, v29;
	v47 =	vadd.f32 v34, v33;
	v63 =	vld [tilespmem:s22+$0xFFFFFEF0]  }
0xb3: {  	v17 =	vmul.f32 v33, v33;
	v33 =	vld [tilespmem:s22+$0xFFFFFF70];
	v3 =	vadd.f32 v40, v3;
	v6 =	vadd.f32 v43, v42  }
0xb4: {  	v41 =	vmul.f32 v31, v31;
	v4 =	vadd.f32 v46, v45;
	v5 =	vadd.f32 v5, v56;
	v42 =	vld [tilespmem:s22+$0xFFFFFE20]  }
0xb5: {  	v44 =	vmul.f32 v23, v23;
	v8 =	vadd.f32 v11, v8;
	v7 =	vadd.f32 v12, v7;
	v46 =	vld [tilespmem:s22+$0xFFFFFE30]  }
0xb6: {  	v11 =	vmul.f32 v59, v59;
	v40 =	vadd.f32 v31, v29;
	v43 =	vadd.f32 v25, v23;
	v59 =	vld [tilespmem:s22+$0xFFFFFEB0]  }
0xb7: {  	v21 =	vmul.f32 v36, v36;
	v14 =	vadd.f32 v41, v14;
	v52 =	vadd.f32 v26, v47;
	v29 =	vld [tilespmem:s22+$0xFFFFFEC0]  }
0xb8: {  	v45 =	vmul.f32 v25, v25;
	v56 =	vadd.f32 v39, v38;
	v31 =	vld [tilespmem:s22+$0xFFFFFED0];
	v3 =	vadd.f32 v6, v3  }
0xb9: {  	v12 =	vmul.f32 v38, v38;
	v38 =	vld [tilespmem:s22+$0xFFFFFF10];
	v5 =	vadd.f32 v5, v10;
	v7 =	vadd.f32 v7, v8  }
0xba: {  	v6 =	vmul.f32 v50, v50;
	v11 =	vadd.f32 v16, v11;
	v8 =	vadd.f32 v61, v60;
	v50 =	vld [tilespmem:s22+$0xFFFFFE60]  }
0xbb: {  	v22 =	vmul.f32 v57, v57;
	v49 =	vadd.f32 v45, v44;
	v61 =	vld [tilespmem:s22+$0xFFFFFEE0];
	v41 =	vadd.f32 v55, v53  }
0xbc: {  	v6 =	vadd.f32 v28, v6;
	v11 =	vadd.f32 v11, v13;
	v13 =	vmul.f32 v37, v37;
	v37 =	vld [tilespmem:s22+$0xFFFFFF00]  }
0xbd: {  	v16 =	vmul.f32 v34, v34;
	v7 =	vadd.f32 v7, v5;
	v14 =	vadd.f32 v49, v14;
	v49 =	vld [tilespmem:s22+$0xFFFFFF60]  }
0xbe: {  	v58 =	vadd.f32 v46, v42;
	v23 =	vmul.f32 v46, v46;
	v46 =	vld [tilespmem:s22+$0xFFFFFF50];
	v10 =	vadd.f32 v32, v6  }
0xbf: {  	v6 =	vadd.f32 v35, v18;
	v18 =	vmul.f32 v42, v42;
	v42 =	vmul.f32 v53, v53;
	v53 =	vld [tilespmem:s22+$0xFFFFFF90]  }
0xc0: {  	v25 =	vmul.f32 v48, v48;
	v16 =	vadd.f32 v16, v17;
	v28 =	vadd.f32 v27, v48;
	v35 =	vld [tilespmem:s22+$0xFFFFFFE0]  }
0xc1: {  	v27 =	vmul.f32 v27, v27;
	v17 =	vmul.f32 v51, v51;
	v30 =	vadd.f32 v51, v50;
	v51 =	vld [tilespmem:s22+$0xFFFFFF80]  }
0xc2: {  	v44 =	vadd.f32 v59, v57;
	v45 =	vmul.f32 v59, v59;
	v24 =	vadd.f32 v58, v56;
	v56 =	vld [tilespmem:s22+$0xFFFFFFB0]  }
0xc3: {  	v47 =	vadd.f32 v31, v29;
	v29 =	vmul.f32 v29, v29;
	v13 =	vadd.f32 v13, v21;
	v58 =	vld [tilespmem:s22+$0xFFFFFFC0]  }
0xc4: {  	v62 =	vadd.f32 v27, v25;
	v5 =	vadd.f32 v11, v10;
	v10 =	vmul.f32 v39, v39;
	v39 =	vld [tilespmem:s22+$0xFFFFFF20]  }
0xc5: {  	v20 =	vmul.f32 v50, v50;
	v32 =	vadd.f32 v63, v61;
	v11 =	vadd.f32 v43, v40;
	v40 =	vld [tilespmem:s22+$0xFFFFFF30]  }
0xc6: {  	v48 =	vmul.f32 v31, v31;
	v50 =	vadd.f32 v45, v22;
	v54 =	vadd.f32 v13, v16;
	v43 =	vld [tilespmem:s22+$0xFFFFFF40]  }
0xc7: {  	v60 =	vadd.f32 v23, v18;
	v16 =	vmul.f32 v55, v55;
	v55 =	vld [tilespmem:s22+$0xFFFFFFA0];
	v17 =	vadd.f32 v17, v20  }
0xc8: {  	v36 =	vadd.f32 v30, v28;
	v57 =	vadd.f32 v38, v37;
	v27 =	vmul.f32 v37, v37;
	v37 =	vld [tilespmem:s22+$0xFFFFFFF0]  }
0xc9: {  	v20 =	vmul.f32 v63, v63;
	v63 =	vld [tilespmem:s22+$0x10];
	v10 =	vadd.f32 v10, v12;
	v13 =	vadd.f32 v52, v11  }
0xca: {  	v23 =	vmul.f32 v38, v38;
	v12 =	vadd.f32 v54, v14;
	v54 =	vadd.f32 v32, v47;
	v47 =	vld [tilespmem:s22+$0x40]  }
0xcb: {  	v16 =	vadd.f32 v16, v42;
	v52 =	vadd.f32 v48, v29;
	v48 =	vld [tilespmem:s22+$0x50]  }
0xcc: {  	v18 =	vmul.f32 v61, v61;
	v17 =	vadd.f32 v17, v62;
	v23 =	vadd.f32 v23, v27;
	v27 =	vld [tilespmem:s22+$0x0]  }
0xcd: {  	v31 =	vmul.f32 v49, v49;
	v11 =	vadd.f32 v36, v24;
	v10 =	vadd.f32 v60, v10;
	v60 =	vld [tilespmem:s22+$0xFFFFFFD0]  }
0xce: {  	v26 =	vmul.f32 v46, v46;
	v18 =	vadd.f32 v20, v18;
	v16 =	vadd.f32 v50, v16;
	v50 =	vld [tilespmem:s22+$0x60]  }
0xcf: {  	v36 =	vadd.f32 v33, v49;
	v34 =	vadd.f32 v46, v43;
	v21 =	vmul.f32 v43, v43;
	v43 =	vld [tilespmem:s22+$0x20]  }
0xd0: {  	v33 =	vmul.f32 v33, v33;
	v20 =	vmul.f32 v53, v53;
	v18 =	vadd.f32 v18, v52;
	v52 =	vld [tilespmem:s22+$0x70]  }
0xd1: {  	v49 =	vadd.f32 v53, v51;
	v59 =	vadd.f32 v40, v39;
	v14 =	vmul.f32 v39, v39;
	v39 =	vld [tilespmem:s22+$0x90]  }
0xd2: {  	v22 =	vmul.f32 v51, v51;
	v62 =	vadd.f32 v33, v31;
	v51 =	vadd.f32 v56, v55;
	v46 =	vld [tilespmem:s22+$0xC0]  }
0xd3: {  	v15 =	vmul.f32 v40, v40;
	v10 =	vadd.f32 v17, v10;
	v17 =	vadd.f32 v44, v41;
	v44 =	vld [tilespmem:s22+$0x30]  }
0xd4: {  	v19 =	vmul.f32 v56, v56;
	v38 =	vadd.f32 v37, v35;
	v20 =	vadd.f32 v20, v22;
	v22 =	vld [tilespmem:s22+$0xA0]  }
0xd5: {  	v28 =	vmul.f32 v55, v55;
	v41 =	vld [tilespmem:s22+$0x100];
	v14 =	vadd.f32 v15, v14;
	v61 =	vadd.f32 v26, v21  }
0xd6: {  	v35 =	vmul.f32 v35, v35;
	v25 =	vadd.f32 v59, v57;
	v42 =	vadd.f32 v36, v34;
	v57 =	vld [tilespmem:s22+$0xB0]  }
0xd7: {  	v37 =	vmul.f32 v37, v37;
	v16 =	vadd.f32 v18, v16;
	v19 =	vadd.f32 v19, v28;
	v59 =	vld [tilespmem:s22+$0xD0]  }
0xd8: {  	v29 =	vmul.f32 v58, v58;
	v24 =	vadd.f32 v51, v49;
	v40 =	vadd.f32 v48, v47;
	v51 =	vld [tilespmem:s22+$0x150]  }
0xd9: {  	v26 =	vmul.f32 v63, v63;
	v36 =	vld [tilespmem:s22+$0x180];
	v17 =	vadd.f32 v54, v17;
	v56 =	vadd.f32 v37, v35  }
0xda: {  	v18 =	vmul.f32 v47, v47;
	v54 =	vld [tilespmem:s22+$0x80];
	v14 =	vadd.f32 v14, v23;
	v21 =	vadd.f32 v62, v61  }
0xdb: {  	v37 =	vld [tilespmem:s22+$0x1E0];
	v15 =	vadd.f32 v42, v25;
	v53 =	vadd.f32 v60, v58;
	v32 =	vmul.f32 v60, v60  }
0xdc: {  	v19 =	vadd.f32 v19, v20;
	v60 =	vadd.f32 v63, v27;
	v27 =	vmul.f32 v27, v27;
	v61 =	vld [tilespmem:s22+$0xE0]  }
0xdd: {  	v63 =	vld [tilespmem:s22+$0xF0];
	v25 =	vmul.f32 v50, v50;
	v31 =	vmul.f32 v43, v43;
	v42 =	vadd.f32 v52, v50  }
0xde: {  	v33 =	vmul.f32 v52, v52;
	v50 =	vld [tilespmem:s22+$0x140];
	v14 =	vadd.f32 v21, v14;
	v55 =	vadd.f32 v32, v29  }
0xdf: {  	v45 =	vadd.f32 v38, v53;
	v62 =	vadd.f32 v44, v43;
	v23 =	vmul.f32 v44, v44;
	v43 =	vld [tilespmem:s22+$0x110]  }
0xe0: {  	v21 =	vmul.f32 v48, v48;
	v26 =	vadd.f32 v26, v27;
	v27 =	vld [tilespmem:s22+$0x120];
	v47 =	vadd.f32 v33, v25  }
0xe1: {  	v34 =	vmul.f32 v46, v46;
	v48 =	vld [tilespmem:s22+$0x130];
	v49 =	vadd.f32 v42, v40;
	v58 =	vadd.f32 v56, v55  }
0xe2: {  	v32 =	vmul.f32 v57, v57;
	v42 =	vld [tilespmem:s22+$0x1A0];
	v23 =	vadd.f32 v23, v31;
	v18 =	vadd.f32 v21, v18  }
0xe3: {  	v28 =	vmul.f32 v59, v59;
	v29 =	vadd.f32 v62, v60;
	v21 =	vadd.f32 v45, v24;
	v24 =	vld [tilespmem:s22+$0x160]  }
0xe4: {  	v52 =	vadd.f32 v39, v54;
	v53 =	vmul.f32 v54, v54;
	v55 =	vadd.f32 v57, v22;
	v56 =	vld [tilespmem:s22+$0x190]  }
0xe5: {  	v54 =	vmul.f32 v39, v39;
	v57 =	vadd.f32 v59, v46;
	v45 =	vld [tilespmem:s22+$0x1B0];
	v44 =	vadd.f32 v63, v61  }
0xe6: {  	v22 =	vmul.f32 v22, v22;
	v31 =	vld [tilespmem:s22+$0x1C0];
	v28 =	vadd.f32 v28, v34;
	v23 =	vadd.f32 v23, v26  }
0xe7: {  	v39 =	vld [tilespmem:s22+$0x2E0];
	v35 =	vmul.f32 v61, v61;
	v18 =	vadd.f32 v47, v18;
	v20 =	vadd.f32 v58, v19  }
0xe8: {  	v38 =	vmul.f32 v63, v63;
	v34 =	vld [tilespmem:s22+$0x1D0];
	v19 =	vadd.f32 v49, v29;
	v30 =	vadd.f32 v54, v53  }
0xe9: {  	v61 =	vmul.f32 v41, v41;
	v63 =	vld [tilespmem:s22+$0x200];
	v22 =	vadd.f32 v32, v22;
	v29 =	vadd.f32 v55, v52  }
0xea: {  	v46 =	vadd.f32 v51, v50;
	v33 =	vmul.f32 v50, v50;
	v47 =	vld [tilespmem:s22+$0x220];
	v58 =	vadd.f32 v38, v35  }
0xeb: {  	v26 =	vmul.f32 v51, v51;
	v49 =	vld [tilespmem:s22+$0x230];
	v59 =	vadd.f32 v44, v57;
	v60 =	vadd.f32 v43, v41  }
0xec: {  	v51 =	vld [tilespmem:s22+$0x2D0];
	v62 =	vmul.f32 v43, v43;
	v52 =	vadd.f32 v48, v27;
	v27 =	vmul.f32 v27, v27  }
0xed: {  	v25 =	vmul.f32 v48, v48;
	v44 =	vld [tilespmem:s22+$0x210];
	v18 =	vadd.f32 v18, v23;
	v22 =	vadd.f32 v22, v30  }
0xee: {  	v43 =	vld [tilespmem:s22+$0x260];
	v26 =	vadd.f32 v26, v33;
	v28 =	vadd.f32 v58, v28  }
0xef: {  	v23 =	vld [tilespmem:s22+$0x170];
	v38 =	vadd.f32 v62, v61;
	v25 =	vadd.f32 v25, v27  }
0xf0: {  	v30 =	vld [tilespmem:s22+$0x1F0];
	v32 =	vadd.f32 v52, v60;
	v54 =	vadd.f32 v56, v36  }
0xf1: {  	v55 =	vmul.f32 v36, v36;
	v33 =	vld [tilespmem:s22+$0x250];
	v57 =	vadd.f32 v45, v42;
	v60 =	vadd.f32 v34, v31  }
0xf2: {  	v27 =	vld [tilespmem:s22+$0x240];
	v31 =	vmul.f32 v31, v31;
	v34 =	vmul.f32 v34, v34;
	v38 =	vadd.f32 v25, v38  }
0xf3: {  	v36 =	vld [tilespmem:s22+$0x2A0];
	v58 =	vmul.f32 v42, v42;
	v25 =	vadd.f32 v59, v29;
	v29 =	vadd.f32 v57, v54  }
0xf4: {  	v42 =	vld [tilespmem:s22+$0x2B0];
	v59 =	vmul.f32 v45, v45;
	v31 =	vadd.f32 v34, v31;
	v62 =	vadd.f32 v44, v63  }
0xf5: {  	v34 =	vld [tilespmem:s22+$0x2F0];
	v63 =	vmul.f32 v63, v63;
	v57 =	vmul.f32 v44, v44;
	v48 =	vadd.f32 v23, v24  }
0xf6: {  	v44 =	vld [tilespmem:s22+$0x320];
	v24 =	vmul.f32 v24, v24;
	v23 =	vmul.f32 v23, v23;
	v50 =	vadd.f32 v30, v37  }
0xf7: {  	v37 =	vmul.f32 v37, v37;
	v61 =	vadd.f32 v59, v58;
	v40 =	vadd.f32 v57, v63;
	v57 =	vld [tilespmem:s22+$0x3D0]  }
0xf8: {  	v30 =	vmul.f32 v30, v30;
	v58 =	vadd.f32 v49, v47;
	v53 =	vadd.f32 v48, v46;
	v46 =	vld [tilespmem:s22+$0x270]  }
0xf9: {  	v47 =	vmul.f32 v47, v47;
	v23 =	vadd.f32 v23, v24;
	v24 =	vadd.f32 v28, v22;
	v28 =	vld [tilespmem:s22+$0x280]  }
0xfa: {  	v49 =	vmul.f32 v49, v49;
	v52 =	vadd.f32 v33, v27;
	v27 =	vmul.f32 v27, v27;
	v48 =	vld [tilespmem:s22+$0x2C0]  }
0xfb: {  	v33 =	vmul.f32 v33, v33;
	v30 =	vadd.f32 v30, v37;
	v37 =	vadd.f32 v50, v60;
	v50 =	vld [tilespmem:s22+$0x330]  }
0xfc: {  	v59 =	vadd.f32 v49, v47;
	v47 =	vld [tilespmem:s22+$0x360]  }
0xfd: {  	v56 =	vmul.f32 v56, v56;
	v35 =	vadd.f32 v58, v62;
	v49 =	vld [tilespmem:s22+$0x3E0];
	v27 =	vadd.f32 v33, v27  }
0xfe: {  	v33 =	vld [tilespmem:s22+$0x390];
	v26 =	vadd.f32 v23, v26;
	v23 =	vadd.f32 v53, v32  }
0xff: {  	v9 =	vshll.u32 v9, $0x4;
	v32 =	vadd.f32 v56, v55;
	v30 =	vadd.f32 v30, v31;
	v31 =	vld [tilespmem:s22+$0x310]  }
0x100: {  	v62 =	vbroadcast v9, $0x0;
	v53 =	vld [tilespmem:s22+$0x340];
	v40 =	vadd.f32 v59, v40;
	v29 =	vadd.f32 v37, v29  }
0x101: {  	v58 =	vbroadcast v9, $0x1;
	v55 =	vld [tilespmem:s22+$0x350];
	v22 =	vadd.f32 v26, v38;
	v32 =	vadd.f32 v61, v32  }
0x102: {  	v26 =	vld [tilespmem:s22+$0x290];
	v54 =	vadd.f32 v46, v43;
	v43 =	vmul.f32 v43, v43;
	v46 =	vmul.f32 v46, v46  }
0x103: {  	v37 =	vor.u32 v1, v62;
	v56 =	vadd.f32 v34, v39;
	v38 =	vld [tilespmem:s22+$0x300];
	v62 =	vadd.f32 v51, v48  }
0x104: {  	v63 =	vor.u32 v1, v9;
	v30 =	vadd.f32 v30, v32;
	v32 =	vld [tilespmem:s22+$0x3A0];
	v60 =	vadd.f32 v46, v43  }
0x105: {  	v41 =	vor.u32 v1, v58;
	v58 =	vadd.f32 v50, v44;
	v43 =	vld [tilespmem:s22+$0x370];
	v61 =	vadd.f32 v54, v52  }
0x106: {  	v46 =	vld [tilespmem:s22+$0x380];
	v54 =	vadd.f32 v56, v62;
	v27 =	vadd.f32 v60, v27  }
0x107: {  	v34 =	vmul.f32 v34, v34;
	v52 =	vld [tilespmem:s22+$0x3C0];
	v35 =	vadd.f32 v61, v35;
	v60 =	vadd.f32 v26, v28  }
0x108: {  	v56 =	vld [tilespmem:s22+$0x3F0];
	v61 =	vadd.f32 v42, v36;
	v28 =	vmul.f32 v28, v28;
	v26 =	vmul.f32 v26, v26  }
0x109: {  	v36 =	vmul.f32 v36, v36;
	v42 =	vmul.f32 v42, v42;
	v27 =	vadd.f32 v27, v40;
	v40 =	vld [tilespmem:s22+$0x3B0]  }
0x10a: {  	v45 =	vadd.f32 v61, v60;
	[tilespmem:v63+s16+$0x0] =	vst.idx.add.f32.msk $0xffff, v2;
	v60 =	vmul.f32 v48, v48  }
0x10b: {  	v63 =	vbroadcast v9, $0x2;
	v61 =	vmul.f32 v51, v51;
	v36 =	vadd.f32 v42, v36;
	[tilespmem:v37+s17+$0x0] =	vst.idx.add.f32.msk $0xffff, v4  }
0x10c: {  	v42 =	vmul.f32 v39, v39;
	v51 =	vbroadcast v9, $0x4;
	[tilespmem:v37+s18+$0x0] =	vst.idx.add.f32.msk $0xffff, v3;
	v3 =	vadd.f32 v26, v28  }
0x10d: {  	v62 =	vor.u32 v1, v63;
	v63 =	vbroadcast v9, $0x3;
	v39 =	vadd.f32 v54, v45  }
0x10e: {  	v48 =	vmul.f32 v55, v55;
	v4 =	vadd.f32 v61, v60;
	v34 =	vadd.f32 v34, v42  }
0x10f: {  	v54 =	vadd.f32 v31, v38;
	v60 =	vmul.f32 v38, v38;
	v28 =	vor.u32 v1, v63  }
0x110: {  	v59 =	vor.u32 v1, v51;
	v61 =	vbroadcast v9, $0x5;
	v45 =	vmul.f32 v53, v53;
	[tilespmem:v41+s17+$0x0] =	vst.idx.add.f32.msk $0xffff, v8  }
0x111: {  	v42 =	vbroadcast v9, $0x6;
	v3 =	vadd.f32 v36, v3;
	[tilespmem:v41+s18+$0x0] =	vst.idx.add.f32.msk $0xffff, v7;
	v4 =	vadd.f32 v34, v4  }
0x112: {  	v63 =	vmul.f32 v44, v44;
	v41 =	vmul.f32 v50, v50;
	[tilespmem:v62+s17+$0x0] =	vst.idx.add.f32.msk $0xffff, v6  }
0x113: {  	v8 =	vor.u32 v1, v61;
	v44 =	vadd.f32 v55, v53;
	[tilespmem:v62+s18+$0x0] =	vst.idx.add.f32.msk $0xffff, v5  }
0x114: {  	v50 =	vor.u32 v1, v42;
	v53 =	vadd.f32 v43, v47;
	[tilespmem:v28+s17+$0x0] =	vst.idx.add.f32.msk $0xffff, v13  }
0x115: {  	v51 =	vbroadcast v9, $0x7;
	v55 =	vmul.f32 v43, v43;
	v61 =	vadd.f32 v48, v45;
	[tilespmem:v28+s18+$0x0] =	vst.idx.add.f32.msk $0xffff, v12  }
0x116: {  	(v2sf) =	vpush v9, $0xF;
	v43 =	vadd.f32 v57, v52;
	v62 =	vmul.f32 v31, v31;
	[tilespmem:v59+s17+$0x0] =	vst.idx.add.f32.msk $0xffff, v11  }
0x117: {  	v5 =	vadd.f32 v58, v54;
	v58 =	vor.u32 v1, v51;
	[tilespmem:v59+s18+$0x0] =	vst.idx.add.f32.msk $0xffff, v10;
	v59 =	vbroadcast v9, $0x8  }
0x118: {  	v54 =	vmul.f32 v47, v47;
	v7 =	vadd.f32 v62, v60;
	[tilespmem:v8+s17+$0x0] =	vst.idx.add.f32.msk $0xffff, v17  }
0x119: {  	v60 =	vadd.f32 v41, v63;
	[tilespmem:v8+s18+$0x0] =	vst.idx.add.f32.msk $0xffff, v16;
	v63 =	vor.u32 v1, v59;
	v16 =	vbroadcast v9, $0x9  }
0x11a: {  	v45 =	vadd.f32 v56, v49;
	v52 =	vmul.f32 v52, v52;
	v31 =	vbroadcast v9, $0xA;
	[tilespmem:v50+s17+$0x0] =	vst.idx.add.f32.msk $0xffff, v15  }
0x11b: {  	v62 =	vadd.f32 v55, v54;
	[tilespmem:v50+s18+$0x0] =	vst.idx.add.f32.msk $0xffff, v14;
	v10 =	vor.u32 v1, v16  }
0x11c: {  	v56 =	vmul.f32 v56, v56;
	v37 =	vor.u32 v1, v31;
	[tilespmem:v58+s17+$0x0] =	vst.idx.add.f32.msk $0xffff, v21  }
0x11d: {  	v38 =	vbroadcast v9, $0xB;
	v7 =	vadd.f32 v60, v7;
	v28 =	vadd.f32 v62, v61;
	[tilespmem:v58+s18+$0x0] =	vst.idx.add.f32.msk $0xffff, v20  }
0x11e: {  	v42 =	vadd.f32 v40, v32;
	v13 =	vadd.f32 v53, v44;
	[tilespmem:v63+s17+$0x0] =	vst.idx.add.f32.msk $0xffff, v19  }
0x11f: {  	v44 =	vbroadcast v9, $0xC;
	v36 =	vadd.f32 v28, v7;
	v7 =	vor.u32 v1, v38;
	[tilespmem:v63+s18+$0x0] =	vst.idx.add.f32.msk $0xffff, v18  }
0x120: {  	v3 =	vadd.f32 v4, v3;
	v47 =	vmul.f32 v33, v33;
	[tilespmem:v10+s17+$0x0] =	vst.idx.add.f32.msk $0xffff, v25  }
0x121: {  	v48 =	vbroadcast v9, $0xD;
	v51 =	vmul.f32 v40, v40;
	v8 =	vor.u32 v1, v44;
	[tilespmem:v10+s18+$0x0] =	vst.idx.add.f32.msk $0xffff, v24  }
0x122: {  	v41 =	vadd.f32 v33, v46;
	v46 =	vmul.f32 v46, v46;
	[tilespmem:v37+s17+$0x0] =	vst.idx.add.f32.msk $0xffff, v23  }
0x123: {  	v53 =	vor.u32 v1, v48;
	v54 =	vmul.f32 v57, v57;
	v9 =	vbroadcast v9, $0xE;
	[tilespmem:v37+s18+$0x0] =	vst.idx.add.f32.msk $0xffff, v22  }
0x124: {  	v55 =	vmul.f32 v49, v49;
	v34 =	vadd.f32 v13, v5;
	[tilespmem:v7+s17+$0x0] =	vst.idx.add.f32.msk $0xffff, v29  }
0x125: {  	v50 =	vmul.f32 v32, v32;
	v57 =	vor.u32 v1, v9;
	[tilespmem:v7+s18+$0x0] =	vst.idx.add.f32.msk $0xffff, v30  }
0x126: {  	s31 =	spop (v2sf);
	v60 =	vadd.f32 v56, v55;
	v58 =	vadd.f32 v47, v46;
	[tilespmem:v8+s17+$0x0] =	vst.idx.add.f32.msk $0xffff, v35  }
0x127: {  	s23 =	sadd.s32 $0x1, s23;
	v61 =	vor.u32 s31, v1;
	v59 =	vadd.f32 v51, v50;
	v10 =	vadd.f32 v54, v52;
	[tilespmem:v8+s18+$0x0] =	vst.idx.add.f32.msk $0xffff, v27  }
0x128: {  	p0 =	sne.s32 s23, $0x18;
	v11 =	vadd.f32 v42, v41;
	v62 =	vadd.f32 v45, v43;
	[tilespmem:v53+s17+$0x0] =	vst.idx.add.f32.msk $0xffff, v39  }
.Ltmp0:
0x129: {  	v9 =	vadd.f32 v59, v58;
	v10 =	vadd.f32 v60, v10;
	[tilespmem:v53+s18+$0x0] =	vst.idx.add.f32.msk $0xffff, v3;
	(pc) =	sbr.rel @p0 .LBB2_2-.Ltmp0, $4  }
0x12a: {  	v3 =	vadd.f32 v62, v11;
	[tilespmem:v57+s17+$0x0] =	vst.idx.add.f32.msk $0xffff, v34  }
0x12b: {  	v63 =	vadd.f32 v10, v9;
	[tilespmem:v57+s18+$0x0] =	vst.idx.add.f32.msk $0xffff, v36  }
0x12c: {  	[tilespmem:v61+s17+$0x0] =	vst.idx.add.f32.msk $0xffff, v3  }
0x12d: {  	s21 =	sadd.s32 $0x10, s21;
	s22 =	sadd.s32 $0x800, s22;
	[tilespmem:v61+s18+$0x0] =	vst.idx.add.f32.msk $0xffff, v63  }
0x12e: {  	[hbm4b:s8+s2] =	stream.linear.scatter [tilespmem:s17], [sflag:$0x6], $0x200, $0x38;
	[tilespmem:$0xC780] =	vst v63  }
0x12f: {  	_ =	swait.ge [sflag:s19], $0x200  }
0x130: {  	[sflag:s19] =	ssyncset.done $0x0  }
0x131: {  	[sflag:s19] =	ssyncadd.s32 $0xFFFFFE00  }
0x132: {  	[hbm4b:s9+s2] =	stream.linear.scatter [tilespmem:s18], [sflag:$0x6], $0x200, $0x38;
	[tilespmem:$0xC780] =	vst v63  }
0x133: {  	s20 =	sadd.s32 $0x1, s20;
	_ =	swait.ge [sflag:s19], $0x200  }
0x134: {  	p0 =	sne.s32 s20, s11;
	[sflag:s19] =	ssyncset.done $0x0  }
.Ltmp1:
0x135: {  	[sflag:s19] =	ssyncadd.s32 $0xFFFFFE00;
	(pc) =	sbr.rel @p0 .LBB2_1-.Ltmp1, $4  }
0x136: {  	[hbm4b:s10+s2] =	stream.linear.scatter [tilespmem:s16], [sflag:$0x6], $0x200, $0x38;
	[tilespmem:$0xC780] =	vst v63  }
0x137: {  	_ =	swait.ge [sflag:s19], $0x200  }
0x138: {  	[sflag:s19] =	ssyncset.done $0x0  }
0x139: {  	[sflag:s19] =	ssyncadd.s32 $0xFFFFFE00  }
0x13a: {  	_ =	sfence.sel $0x180000  }
0x13b: {  	[bflag:$0x0] =	sbarrier.arrive $0xFFFF  }
0x13c: {  	p0 =	sne.s32 s0, $0x0;
	_ =	strace $0x90000047  }
0x13d: {  	s0 =	sadd.s32 @!p0 $0x100000, s1;
	[bflag:$0x2] =	sbarrier.arrive $0xFFFF  }
0x13e: {  	[sflag:s0] =	ssyncadd.tile.s32 @!p0 $0x1;
	_ =	shalt  }
.Lfunc_end2:
_tile_overlayer_lowered:
.L_overlay_start_2:
0x13f: {  	(tag) =	ssettag $0x2  }
0x140: {  	s0 =	rddreg [dreg:$0x0];
	s2 =	stileid.u32  }
0x141: {  	s1 =	rddreg [dreg:$0x1];
	p0 =	sne.s32 s2, $0x0  }
0x142: {  	s3 =	rddreg [dreg:$0x2];
	[bflag:$0x3] =	sbarrier.arrive $0xFFFF;
	s2 =	simm.s32 @!p0 $0x1C06  }
0x143: {  	[timem:s3], [sflag:s2] =	dma.local @!p0 [hbm:s0], s1  }
0x144: {  	s0 =	simm.s32 @!p0 $0x6  }
0x145: {  	_ =	swait.ge @!p0 [sflag:s0], s1  }
0x146: {  	s1 =	ssub.s32 @!p0 $0x0, s1;
	[sflag:s0] =	ssyncset.done @!p0 $0x0  }
0x147: {  	[sflag:s0] =	ssyncadd.s32 @!p0 s1  }
0x148: {  	[bflag:$0x3] =	sbarrier.arrive $0xFFFF  }
0x149: {  	_ =	shalt  }

</sc_bundles>
